<compile_context>
chip_gen: v7x
topology: tpu7x:2x2x1
jax: 0.10.2.dev20260603
libtpu: 0.0.44.dev20260713+nightly
codegen_flags: <defaults>
</compile_context>

<pallas_src>
import jax
import jax.numpy as jnp
from jax import lax
from jax.experimental import pallas as pl
from jax.experimental.pallas import tpu as pltpu
from jax.experimental.pallas import tpu_sc as plsc

NUM_FIELDS = 26
CARD = 100000
EMBED = 50

B, T = 1024, 20
NBT = B * T
PAIRS = NUM_FIELDS * EMBED

NC, NS = 2, 16
NW = NC * NS
BASE_PAIRS = PAIRS // NW
EXTRA = PAIRS - BASE_PAIRS * NW

OCHUNK = 4096
NCHUNKS = NBT // OCHUNK


def _emb_body(wt_hbm, xt_hbm, out_hbm, row_v, idx_v, out_v0, out_v1, s0, s1):
    wid = lax.axis_index("s") * NC + lax.axis_index("c")
    p0 = wid * BASE_PAIRS + jnp.minimum(wid, EXTRA)
    cnt = BASE_PAIRS + jnp.where(wid < EXTRA, 1, 0)
    bufs = (out_v0, out_v1)
    sems = (s0, s1)

    def pair_body(k, prev_i):
        p = p0 + k
        i = p // EMBED
        e = p % EMBED

        @pl.when(i != prev_i)
        def _():
            pltpu.sync_copy(xt_hbm.at[i, pl.ds(0, NBT)], idx_v)

        pltpu.sync_copy(wt_hbm.at[i, e, pl.ds(0, CARD)], row_v)

        for c in range(NCHUNKS):
            out_v = bufs[c % 2]
            sem = sems[c % 2]
            dst = out_hbm.at[c, p, pl.ds(0, OCHUNK)]
            if c >= 2:
                pltpu.make_async_copy(
                    out_hbm.at[c - 2, p, pl.ds(0, OCHUNK)], out_v, sem
                ).wait()
            cbase = c * OCHUNK

            @plsc.parallel_loop(0, OCHUNK // 16, 1, unroll=8)
            def _gat(k16):
                vidx = idx_v[pl.ds(cbase + k16 * 16, 16)]
                out_v[pl.ds(k16 * 16, 16)] = plsc.load_gather(row_v, [vidx])

            pltpu.async_copy(out_v, dst, sem)

        for c in (NCHUNKS - 2, NCHUNKS - 1):
            pltpu.make_async_copy(
                out_hbm.at[c, p, pl.ds(0, OCHUNK)], bufs[c % 2], sems[c % 2]
            ).wait()
        return i

    lax.fori_loop(0, cnt, pair_body, jnp.int32(-1))


@jax.jit
def _emb_gather(wt, xt):
    mesh = plsc.VectorSubcoreMesh(core_axis_name="c", subcore_axis_name="s")
    return pl.kernel(
        _emb_body,
        out_type=jax.ShapeDtypeStruct((NCHUNKS, PAIRS, OCHUNK), jnp.float32),
        mesh=mesh,
        scratch_types=[
            pltpu.VMEM((CARD,), jnp.float32),
            pltpu.VMEM((NBT,), jnp.int32),
            pltpu.VMEM((OCHUNK,), jnp.float32),
            pltpu.VMEM((OCHUNK,), jnp.float32),
            pltpu.SemaphoreType.DMA,
            pltpu.SemaphoreType.DMA,
        ],
        compiler_params=pltpu.CompilerParams(needs_layout_passes=False),
    )(wt, xt)


def kernel(x, W):
    wt = W.transpose(0, 2, 1)
    xt = x.reshape(NBT, NUM_FIELDS).astype(jnp.int32).T
    out = _emb_gather(wt, xt)
    return lax.reshape(out, (B, T, PAIRS, 1), dimensions=(0, 2, 1))

# --- scband reference (transcript-rebuilt; emitter-appended) ---
"""Pipeline reference for scband-multiple-embeddings-48060684043008 (READ-ONLY COPY).

The authoritative reference and input builder live on the scoring server;
editing this copy changes nothing except your own understanding.
"""

import jax, jax.numpy as jnp
import numpy as np

NUM_FIELDS = 26
CARD = 100000
EMBED = 50  # min(50, (100000 + 1) // 2)


def setup_inputs(seed: int = 0) -> dict:
    key = jax.random.key(seed)
    k1, k2 = jax.random.split(key)
    x = jax.random.randint(k1, (1024, 20, NUM_FIELDS, 1), 0, CARD, dtype=jnp.int32).astype(jnp.int64)
    # All 26 embedding tables have identical shape [CARD, EMBED]; stack into one tensor.
    W = jax.random.normal(k2, (NUM_FIELDS, CARD, EMBED), dtype=jnp.float32)
    return {"x": x, "W": W}


def reference(x, W):
    embeddings = []
    for i in range(NUM_FIELDS):
        feature_slice = x[:, :, i, :]  # [B, T, L] int indices
        emb = jnp.take(W[i], feature_slice, axis=0)  # [B, T, L, EMBED]
        embeddings.append(emb)
    out = jnp.concatenate(embeddings, axis=3)  # [B, T, L, NUM_FIELDS*EMBED]
    return jnp.transpose(out, (0, 1, 3, 2))  # [B, T, NUM_FIELDS*EMBED, L]

if __name__ == "__main__":
    import jax
    _d = setup_inputs()
    print(jax.jit(kernel)(*tuple(_d.values())))

</pallas_src>

<mosaic_0001>
#map = affine_map<(d0, d1) -> (0, 0, 0)>
#map1 = affine_map<(d0, d1) -> (0, 0)>
module attributes {stable_mosaic.version = 14 : i64} {
  func.func @_emb_body(%arg0: i32, %arg1: i32, %arg2: memref<26x50x100000xf32, #tpu.memory_space<hbm>>, %arg3: memref<26x20480xi32, #tpu.memory_space<hbm>>, %arg4: memref<5x1300x4096xf32, #tpu.memory_space<hbm>>, %arg5: memref<100000xf32, #tpu.memory_space<vmem>>, %arg6: memref<20480xi32, #tpu.memory_space<vmem>>, %arg7: memref<4096xf32, #tpu.memory_space<vmem>>, %arg8: memref<4096xf32, #tpu.memory_space<vmem>>, %arg9: memref<!tpu.dma_semaphore, #tpu.memory_space<semaphore_mem>>, %arg10: memref<!tpu.dma_semaphore, #tpu.memory_space<semaphore_mem>>) attributes {dimension_semantics = [#tpu.dimension_semantics<core_parallel>, #tpu.dimension_semantics<subcore_parallel>], iteration_bounds = array<i64: 2, 16>, scalar_prefetch = 0 : i64, scratch_operands = 6 : i64, tpu.core_type = #tpu.core_type<sc_vector_subcore>, window_params = [{transform_indices = #map}, {transform_indices = #map1}, {transform_indices = #map}]} {
    %mul3A = arith.constant 2 : i32
    %mul3A_0 = arith.muli %arg1, %mul3A : i32
    %add3A = arith.addi %mul3A_0, %arg0 : i32
    %mul3A_1 = arith.constant 40 : i32
    %mul3A_2 = arith.muli %add3A, %mul3A_1 : i32
    %min3A = arith.constant 20 : i32
    %min3A_3 = arith.minsi %add3A, %min3A : i32
    %add3A_4 = arith.addi %mul3A_2, %min3A_3 : i32
    %lt3A = arith.constant 20 : i32
    %lt3A_5 = arith.cmpi slt, %add3A, %lt3A : i32
    %jit3A = arith.constant 1 : i32
    %jit3A_6 = arith.constant 0 : i32
    %select_n3A = arith.select %lt3A_5, %jit3A, %jit3A_6 : i32
    %add3A_7 = arith.constant 40 : i32
    %add3A_8 = arith.addi %add3A_7, %select_n3A : i32
    %while3A = arith.constant 0 : i32
    %while3A_9 = arith.constant -1 : i32
    %while3A_10 = arith.subi %add3A_8, %while3A : i32
    %while3A_11 = arith.addi %while3A, %while3A_10 : i32
    %while3A_12 = arith.constant 1 : i32
    %while3A_13 = arith.divsi %while3A_10, %while3A_12 : i32
    %while3A_14 = arith.muli %while3A_13, %while3A_12 : i32
    %while3A_15 = arith.addi %while3A, %while3A_14 : i32
    %while3A_16 = arith.constant 1 : i32
    %while3A_17 = scf.for %while3A_20 = %while3A to %while3A_15 step %while3A_16 iter_args(%while3A_21 = %while3A_9) -> (i32)  : i32 {
      %add3A_22 = arith.addi %add3A_4, %while3A_20 : i32
      %jit3A_23 = arith.constant 50 : i32
      %div3A = arith.divsi %add3A_22, %jit3A_23 : i32
      %sign3A = arith.constant 0 : i32
      %sign3A_24 = arith.cmpi sgt, %add3A_22, %sign3A : i32
      %sign3A_25 = arith.extui %sign3A_24 : i1 to i32
      %sign3A_26 = arith.constant 0 : i32
      %sign3A_27 = arith.cmpi slt, %add3A_22, %sign3A_26 : i32
      %sign3A_28 = arith.extui %sign3A_27 : i1 to i32
      %sign3A_29 = arith.subi %sign3A_25, %sign3A_28 : i32
      %sign3A_30 = arith.constant 0 : i32
      %sign3A_31 = arith.cmpi sgt, %jit3A_23, %sign3A_30 : i32
      %sign3A_32 = arith.extui %sign3A_31 : i1 to i32
      %sign3A_33 = arith.constant 0 : i32
      %sign3A_34 = arith.cmpi slt, %jit3A_23, %sign3A_33 : i32
      %sign3A_35 = arith.extui %sign3A_34 : i1 to i32
      %sign3A_36 = arith.subi %sign3A_32, %sign3A_35 : i32
      %ne3A = arith.cmpi ne, %sign3A_29, %sign3A_36 : i32
      %rem3A = arith.remsi %add3A_22, %jit3A_23 : i32
      %ne3A_37 = arith.constant 0 : i32
      %ne3A_38 = arith.cmpi ne, %rem3A, %ne3A_37 : i32
      %and3A = arith.andi %ne3A, %ne3A_38 : i1
      %sub3A = arith.constant 1 : i32
      %sub3A_39 = arith.subi %div3A, %sub3A : i32
      %select_n3A_40 = arith.select %and3A, %sub3A_39, %div3A : i32
      %jit3A_41 = arith.constant 50 : i32
      %eq3A = arith.constant 0 : i32
      %eq3A_42 = arith.cmpi eq, %jit3A_41, %eq3A : i32
      %jit3A_43 = arith.constant 1 : i32
      %select_n3A_44 = arith.select %eq3A_42, %jit3A_43, %jit3A_41 : i32
      %rem3A_45 = arith.remsi %add3A_22, %select_n3A_44 : i32
      %ne3A_46 = arith.constant 0 : i32
      %ne3A_47 = arith.cmpi ne, %rem3A_45, %ne3A_46 : i32
      %lt3A_48 = arith.constant 0 : i32
      %lt3A_49 = arith.cmpi slt, %rem3A_45, %lt3A_48 : i32
      %lt3A_50 = arith.constant 0 : i32
      %lt3A_51 = arith.cmpi slt, %select_n3A_44, %lt3A_50 : i32
      %ne3A_52 = arith.xori %lt3A_49, %lt3A_51 : i1
      %and3A_53 = arith.andi %ne3A_52, %ne3A_47 : i1
      %add3A_54 = arith.addi %rem3A_45, %select_n3A_44 : i32
      %select_n3A_55 = arith.select %and3A_53, %add3A_54, %rem3A_45 : i32
      %ne3A_56 = arith.cmpi ne, %select_n3A_40, %while3A_21 : i32
      %convert_element_type3A = arith.extui %ne3A_56 : i1 to i32
      %cond3A = arith.constant 0 : i32
      %cond3A_57 = arith.cmpi ne, %convert_element_type3A, %cond3A : i32
      scf.if %cond3A_57 {
        "tpu.region"() ({
          %run_scoped3A = tpu.sem_alloc : memref<!tpu.dma_semaphore, #tpu.memory_space<semaphore_mem>>
          %dma_start3A_140 = arith.constant 0 : i32
          %dma_start3A_141 = tpu.memref_slice %arg3[%select_n3A_40, %dma_start3A_140] : memref<26x20480xi32, #tpu.memory_space<hbm>> -> memref<1x20480xi32, #tpu.memory_space<hbm>>
          %dma_start3A_142 = tpu.memref_squeeze %dma_start3A_141 : memref<1x20480xi32, #tpu.memory_space<hbm>> -> memref<20480xi32, #tpu.memory_space<hbm>>
          %dma_start3A_143 = arith.constant 0 : i32
          %dma_start3A_144 = tpu.memref_slice %arg3[%select_n3A_40, %dma_start3A_143] : memref<26x20480xi32, #tpu.memory_space<hbm>> -> memref<1x20480xi32, #tpu.memory_space<hbm>>
          %dma_start3A_145 = tpu.memref_squeeze %dma_start3A_144 : memref<1x20480xi32, #tpu.memory_space<hbm>> -> memref<20480xi32, #tpu.memory_space<hbm>>
          tpu.enqueue_dma source(%dma_start3A_145 : memref<20480xi32, #tpu.memory_space<hbm>>) target(%arg6 : memref<20480xi32, #tpu.memory_space<vmem>>) target_semaphore(%run_scoped3A : memref<!tpu.dma_semaphore, #tpu.memory_space<semaphore_mem>>)
          %dma_wait3A_146 = arith.constant 0 : i32
          %dma_wait3A_147 = tpu.memref_slice %arg3[%select_n3A_40, %dma_wait3A_146] : memref<26x20480xi32, #tpu.memory_space<hbm>> -> memref<1x20480xi32, #tpu.memory_space<hbm>>
          %dma_wait3A_148 = tpu.memref_squeeze %dma_wait3A_147 : memref<1x20480xi32, #tpu.memory_space<hbm>> -> memref<20480xi32, #tpu.memory_space<hbm>>
          %dma_wait3A_149 = arith.constant 0 : i32
          %dma_wait3A_150 = tpu.memref_slice %arg3[%select_n3A_40, %dma_wait3A_149] : memref<26x20480xi32, #tpu.memory_space<hbm>> -> memref<1x20480xi32, #tpu.memory_space<hbm>>
          %dma_wait3A_151 = tpu.memref_squeeze %dma_wait3A_150 : memref<1x20480xi32, #tpu.memory_space<hbm>> -> memref<20480xi32, #tpu.memory_space<hbm>>
          tpu.wait_dma2 semaphore(%run_scoped3A : memref<!tpu.dma_semaphore, #tpu.memory_space<semaphore_mem>>) src(%dma_wait3A_151 : memref<20480xi32, #tpu.memory_space<hbm>>) dst(%arg6 : memref<20480xi32, #tpu.memory_space<vmem>>)
          tpu.yield
        }) : () -> ()
      } else {
      }
      "tpu.region"() ({
        %run_scoped3A = tpu.sem_alloc : memref<!tpu.dma_semaphore, #tpu.memory_space<semaphore_mem>>
        %dma_start3A_140 = arith.constant 0 : i32
        %dma_start3A_141 = tpu.memref_slice %arg2[%select_n3A_40, %select_n3A_55, %dma_start3A_140] : memref<26x50x100000xf32, #tpu.memory_space<hbm>> -> memref<1x1x100000xf32, #tpu.memory_space<hbm>>
        %dma_start3A_142 = tpu.memref_squeeze %dma_start3A_141 : memref<1x1x100000xf32, #tpu.memory_space<hbm>> -> memref<100000xf32, #tpu.memory_space<hbm>>
        %dma_start3A_143 = arith.constant 0 : i32
        %dma_start3A_144 = tpu.memref_slice %arg2[%select_n3A_40, %select_n3A_55, %dma_start3A_143] : memref<26x50x100000xf32, #tpu.memory_space<hbm>> -> memref<1x1x100000xf32, #tpu.memory_space<hbm>>
        %dma_start3A_145 = tpu.memref_squeeze %dma_start3A_144 : memref<1x1x100000xf32, #tpu.memory_space<hbm>> -> memref<100000xf32, #tpu.memory_space<hbm>>
        tpu.enqueue_dma source(%dma_start3A_145 : memref<100000xf32, #tpu.memory_space<hbm>>) target(%arg5 : memref<100000xf32, #tpu.memory_space<vmem>>) target_semaphore(%run_scoped3A : memref<!tpu.dma_semaphore, #tpu.memory_space<semaphore_mem>>)
        %dma_wait3A_146 = arith.constant 0 : i32
        %dma_wait3A_147 = tpu.memref_slice %arg2[%select_n3A_40, %select_n3A_55, %dma_wait3A_146] : memref<26x50x100000xf32, #tpu.memory_space<hbm>> -> memref<1x1x100000xf32, #tpu.memory_space<hbm>>
        %dma_wait3A_148 = tpu.memref_squeeze %dma_wait3A_147 : memref<1x1x100000xf32, #tpu.memory_space<hbm>> -> memref<100000xf32, #tpu.memory_space<hbm>>
        %dma_wait3A_149 = arith.constant 0 : i32
        %dma_wait3A_150 = tpu.memref_slice %arg2[%select_n3A_40, %select_n3A_55, %dma_wait3A_149] : memref<26x50x100000xf32, #tpu.memory_space<hbm>> -> memref<1x1x100000xf32, #tpu.memory_space<hbm>>
        %dma_wait3A_151 = tpu.memref_squeeze %dma_wait3A_150 : memref<1x1x100000xf32, #tpu.memory_space<hbm>> -> memref<100000xf32, #tpu.memory_space<hbm>>
        tpu.wait_dma2 semaphore(%run_scoped3A : memref<!tpu.dma_semaphore, #tpu.memory_space<semaphore_mem>>) src(%dma_wait3A_151 : memref<100000xf32, #tpu.memory_space<hbm>>) dst(%arg5 : memref<100000xf32, #tpu.memory_space<vmem>>)
        tpu.yield
      }) : () -> ()
      %parallel_loop3A = arith.constant 0 : i32
      %parallel_loop3A_58 = arith.constant 256 : i32
      %parallel_loop3A_59 = arith.constant 1 : i32
      scf.for %parallel_loop3A_140 = %parallel_loop3A to %parallel_loop3A_58 step %parallel_loop3A_59  : i32 {
        %parallel_loop3A_141 = arith.constant 16 : i32
        %parallel_loop3A_142 = arith.muli %parallel_loop3A_140, %parallel_loop3A_141 : i32
        %parallel_loop3A_143 = arith.constant 0 : i32
        %parallel_loop3A_144 = arith.addi %parallel_loop3A_143, %parallel_loop3A_142 : i32
        %parallel_loop3A_145 = arith.index_cast %parallel_loop3A_144 : i32 to index
        %parallel_loop3A_146 = tpu.vector_load %arg6[%parallel_loop3A_145] {strides = array<i32>} : memref<20480xi32, #tpu.memory_space<vmem>>, vector<16xi32>,
        %parallel_loop3A_147 = tpu.vector_load_idx %arg5[%parallel_loop3A_146] : memref<100000xf32, #tpu.memory_space<vmem>>[vector<16xi32>], vector<16xf32>,
        %parallel_loop3A_148 = arith.constant 16 : i32
        %parallel_loop3A_149 = arith.muli %parallel_loop3A_140, %parallel_loop3A_148 : i32
        %parallel_loop3A_150 = arith.index_cast %parallel_loop3A_149 : i32 to index
        %parallel_loop3A_151 = tpu.vector_load %arg7[%parallel_loop3A_150] {strides = array<i32>} : memref<4096xf32, #tpu.memory_space<vmem>>, vector<16xf32>,
        tpu.vector_store %arg7[%parallel_loop3A_150], %parallel_loop3A_147 {strides = array<i32>} : memref<4096xf32, #tpu.memory_space<vmem>>, vector<16xf32>,
      } {sc.loop_unroll_factor = 8 : i64, sc.parallel_access}
      %dma_start3A = arith.constant 0 : i32
      %dma_start3A_60 = arith.constant 0 : i32
      %dma_start3A_61 = tpu.memref_slice %arg4[%dma_start3A, %add3A_22, %dma_start3A_60] : memref<5x1300x4096xf32, #tpu.memory_space<hbm>> -> memref<1x1x4096xf32, #tpu.memory_space<hbm>>
      %dma_start3A_62 = tpu.memref_squeeze %dma_start3A_61 : memref<1x1x4096xf32, #tpu.memory_space<hbm>> -> memref<4096xf32, #tpu.memory_space<hbm>>
      %dma_start3A_63 = arith.constant 0 : i32
      %dma_start3A_64 = tpu.memref_slice %arg4[%dma_start3A, %add3A_22, %dma_start3A_63] : memref<5x1300x4096xf32, #tpu.memory_space<hbm>> -> memref<1x1x4096xf32, #tpu.memory_space<hbm>>
      %dma_start3A_65 = tpu.memref_squeeze %dma_start3A_64 : memref<1x1x4096xf32, #tpu.memory_space<hbm>> -> memref<4096xf32, #tpu.memory_space<hbm>>
      tpu.enqueue_dma source(%arg7 : memref<4096xf32, #tpu.memory_space<vmem>>) target(%dma_start3A_65 : memref<4096xf32, #tpu.memory_space<hbm>>) target_semaphore(%arg9 : memref<!tpu.dma_semaphore, #tpu.memory_space<semaphore_mem>>)
      %parallel_loop3A_66 = arith.constant 0 : i32
      %parallel_loop3A_67 = arith.constant 256 : i32
      %parallel_loop3A_68 = arith.constant 1 : i32
      scf.for %parallel_loop3A_140 = %parallel_loop3A_66 to %parallel_loop3A_67 step %parallel_loop3A_68  : i32 {
        %parallel_loop3A_141 = arith.constant 16 : i32
        %parallel_loop3A_142 = arith.muli %parallel_loop3A_140, %parallel_loop3A_141 : i32
        %parallel_loop3A_143 = arith.constant 4096 : i32
        %parallel_loop3A_144 = arith.addi %parallel_loop3A_143, %parallel_loop3A_142 : i32
        %parallel_loop3A_145 = arith.index_cast %parallel_loop3A_144 : i32 to index
        %parallel_loop3A_146 = tpu.vector_load %arg6[%parallel_loop3A_145] {strides = array<i32>} : memref<20480xi32, #tpu.memory_space<vmem>>, vector<16xi32>,
        %parallel_loop3A_147 = tpu.vector_load_idx %arg5[%parallel_loop3A_146] : memref<100000xf32, #tpu.memory_space<vmem>>[vector<16xi32>], vector<16xf32>,
        %parallel_loop3A_148 = arith.constant 16 : i32
        %parallel_loop3A_149 = arith.muli %parallel_loop3A_140, %parallel_loop3A_148 : i32
        %parallel_loop3A_150 = arith.index_cast %parallel_loop3A_149 : i32 to index
        %parallel_loop3A_151 = tpu.vector_load %arg8[%parallel_loop3A_150] {strides = array<i32>} : memref<4096xf32, #tpu.memory_space<vmem>>, vector<16xf32>,
        tpu.vector_store %arg8[%parallel_loop3A_150], %parallel_loop3A_147 {strides = array<i32>} : memref<4096xf32, #tpu.memory_space<vmem>>, vector<16xf32>,
      } {sc.loop_unroll_factor = 8 : i64, sc.parallel_access}
      %dma_start3A_69 = arith.constant 1 : i32
      %dma_start3A_70 = arith.constant 0 : i32
      %dma_start3A_71 = tpu.memref_slice %arg4[%dma_start3A_69, %add3A_22, %dma_start3A_70] : memref<5x1300x4096xf32, #tpu.memory_space<hbm>> -> memref<1x1x4096xf32, #tpu.memory_space<hbm>>
      %dma_start3A_72 = tpu.memref_squeeze %dma_start3A_71 : memref<1x1x4096xf32, #tpu.memory_space<hbm>> -> memref<4096xf32, #tpu.memory_space<hbm>>
      %dma_start3A_73 = arith.constant 0 : i32
      %dma_start3A_74 = tpu.memref_slice %arg4[%dma_start3A_69, %add3A_22, %dma_start3A_73] : memref<5x1300x4096xf32, #tpu.memory_space<hbm>> -> memref<1x1x4096xf32, #tpu.memory_space<hbm>>
      %dma_start3A_75 = tpu.memref_squeeze %dma_start3A_74 : memref<1x1x4096xf32, #tpu.memory_space<hbm>> -> memref<4096xf32, #tpu.memory_space<hbm>>
      tpu.enqueue_dma source(%arg8 : memref<4096xf32, #tpu.memory_space<vmem>>) target(%dma_start3A_75 : memref<4096xf32, #tpu.memory_space<hbm>>) target_semaphore(%arg10 : memref<!tpu.dma_semaphore, #tpu.memory_space<semaphore_mem>>)
      %dma_wait3A = arith.constant 0 : i32
      %dma_wait3A_76 = arith.constant 0 : i32
      %dma_wait3A_77 = tpu.memref_slice %arg4[%dma_wait3A, %add3A_22, %dma_wait3A_76] : memref<5x1300x4096xf32, #tpu.memory_space<hbm>> -> memref<1x1x4096xf32, #tpu.memory_space<hbm>>
      %dma_wait3A_78 = tpu.memref_squeeze %dma_wait3A_77 : memref<1x1x4096xf32, #tpu.memory_space<hbm>> -> memref<4096xf32, #tpu.memory_space<hbm>>
      %dma_wait3A_79 = arith.constant 0 : i32
      %dma_wait3A_80 = tpu.memref_slice %arg4[%dma_wait3A, %add3A_22, %dma_wait3A_79] : memref<5x1300x4096xf32, #tpu.memory_space<hbm>> -> memref<1x1x4096xf32, #tpu.memory_space<hbm>>
      %dma_wait3A_81 = tpu.memref_squeeze %dma_wait3A_80 : memref<1x1x4096xf32, #tpu.memory_space<hbm>> -> memref<4096xf32, #tpu.memory_space<hbm>>
      tpu.wait_dma2 semaphore(%arg9 : memref<!tpu.dma_semaphore, #tpu.memory_space<semaphore_mem>>) src(%dma_wait3A_81 : memref<4096xf32, #tpu.memory_space<hbm>>) dst(%arg7 : memref<4096xf32, #tpu.memory_space<vmem>>)
      %parallel_loop3A_82 = arith.constant 0 : i32
      %parallel_loop3A_83 = arith.constant 256 : i32
      %parallel_loop3A_84 = arith.constant 1 : i32
      scf.for %parallel_loop3A_140 = %parallel_loop3A_82 to %parallel_loop3A_83 step %parallel_loop3A_84  : i32 {
        %parallel_loop3A_141 = arith.constant 16 : i32
        %parallel_loop3A_142 = arith.muli %parallel_loop3A_140, %parallel_loop3A_141 : i32
        %parallel_loop3A_143 = arith.constant 8192 : i32
        %parallel_loop3A_144 = arith.addi %parallel_loop3A_143, %parallel_loop3A_142 : i32
        %parallel_loop3A_145 = arith.index_cast %parallel_loop3A_144 : i32 to index
        %parallel_loop3A_146 = tpu.vector_load %arg6[%parallel_loop3A_145] {strides = array<i32>} : memref<20480xi32, #tpu.memory_space<vmem>>, vector<16xi32>,
        %parallel_loop3A_147 = tpu.vector_load_idx %arg5[%parallel_loop3A_146] : memref<100000xf32, #tpu.memory_space<vmem>>[vector<16xi32>], vector<16xf32>,
        %parallel_loop3A_148 = arith.constant 16 : i32
        %parallel_loop3A_149 = arith.muli %parallel_loop3A_140, %parallel_loop3A_148 : i32
        %parallel_loop3A_150 = arith.index_cast %parallel_loop3A_149 : i32 to index
        %parallel_loop3A_151 = tpu.vector_load %arg7[%parallel_loop3A_150] {strides = array<i32>} : memref<4096xf32, #tpu.memory_space<vmem>>, vector<16xf32>,
        tpu.vector_store %arg7[%parallel_loop3A_150], %parallel_loop3A_147 {strides = array<i32>} : memref<4096xf32, #tpu.memory_space<vmem>>, vector<16xf32>,
      } {sc.loop_unroll_factor = 8 : i64, sc.parallel_access}
      %dma_start3A_85 = arith.constant 2 : i32
      %dma_start3A_86 = arith.constant 0 : i32
      %dma_start3A_87 = tpu.memref_slice %arg4[%dma_start3A_85, %add3A_22, %dma_start3A_86] : memref<5x1300x4096xf32, #tpu.memory_space<hbm>> -> memref<1x1x4096xf32, #tpu.memory_space<hbm>>
      %dma_start3A_88 = tpu.memref_squeeze %dma_start3A_87 : memref<1x1x4096xf32, #tpu.memory_space<hbm>> -> memref<4096xf32, #tpu.memory_space<hbm>>
      %dma_start3A_89 = arith.constant 0 : i32
      %dma_start3A_90 = tpu.memref_slice %arg4[%dma_start3A_85, %add3A_22, %dma_start3A_89] : memref<5x1300x4096xf32, #tpu.memory_space<hbm>> -> memref<1x1x4096xf32, #tpu.memory_space<hbm>>
      %dma_start3A_91 = tpu.memref_squeeze %dma_start3A_90 : memref<1x1x4096xf32, #tpu.memory_space<hbm>> -> memref<4096xf32, #tpu.memory_space<hbm>>
      tpu.enqueue_dma source(%arg7 : memref<4096xf32, #tpu.memory_space<vmem>>) target(%dma_start3A_91 : memref<4096xf32, #tpu.memory_space<hbm>>) target_semaphore(%arg9 : memref<!tpu.dma_semaphore, #tpu.memory_space<semaphore_mem>>)
      %dma_wait3A_92 = arith.constant 1 : i32
      %dma_wait3A_93 = arith.constant 0 : i32
      %dma_wait3A_94 = tpu.memref_slice %arg4[%dma_wait3A_92, %add3A_22, %dma_wait3A_93] : memref<5x1300x4096xf32, #tpu.memory_space<hbm>> -> memref<1x1x4096xf32, #tpu.memory_space<hbm>>
      %dma_wait3A_95 = tpu.memref_squeeze %dma_wait3A_94 : memref<1x1x4096xf32, #tpu.memory_space<hbm>> -> memref<4096xf32, #tpu.memory_space<hbm>>
      %dma_wait3A_96 = arith.constant 0 : i32
      %dma_wait3A_97 = tpu.memref_slice %arg4[%dma_wait3A_92, %add3A_22, %dma_wait3A_96] : memref<5x1300x4096xf32, #tpu.memory_space<hbm>> -> memref<1x1x4096xf32, #tpu.memory_space<hbm>>
      %dma_wait3A_98 = tpu.memref_squeeze %dma_wait3A_97 : memref<1x1x4096xf32, #tpu.memory_space<hbm>> -> memref<4096xf32, #tpu.memory_space<hbm>>
      tpu.wait_dma2 semaphore(%arg10 : memref<!tpu.dma_semaphore, #tpu.memory_space<semaphore_mem>>) src(%dma_wait3A_98 : memref<4096xf32, #tpu.memory_space<hbm>>) dst(%arg8 : memref<4096xf32, #tpu.memory_space<vmem>>)
      %parallel_loop3A_99 = arith.constant 0 : i32
      %parallel_loop3A_100 = arith.constant 256 : i32
      %parallel_loop3A_101 = arith.constant 1 : i32
      scf.for %parallel_loop3A_140 = %parallel_loop3A_99 to %parallel_loop3A_100 step %parallel_loop3A_101  : i32 {
        %parallel_loop3A_141 = arith.constant 16 : i32
        %parallel_loop3A_142 = arith.muli %parallel_loop3A_140, %parallel_loop3A_141 : i32
        %parallel_loop3A_143 = arith.constant 12288 : i32
        %parallel_loop3A_144 = arith.addi %parallel_loop3A_143, %parallel_loop3A_142 : i32
        %parallel_loop3A_145 = arith.index_cast %parallel_loop3A_144 : i32 to index
        %parallel_loop3A_146 = tpu.vector_load %arg6[%parallel_loop3A_145] {strides = array<i32>} : memref<20480xi32, #tpu.memory_space<vmem>>, vector<16xi32>,
        %parallel_loop3A_147 = tpu.vector_load_idx %arg5[%parallel_loop3A_146] : memref<100000xf32, #tpu.memory_space<vmem>>[vector<16xi32>], vector<16xf32>,
        %parallel_loop3A_148 = arith.constant 16 : i32
        %parallel_loop3A_149 = arith.muli %parallel_loop3A_140, %parallel_loop3A_148 : i32
        %parallel_loop3A_150 = arith.index_cast %parallel_loop3A_149 : i32 to index
        %parallel_loop3A_151 = tpu.vector_load %arg8[%parallel_loop3A_150] {strides = array<i32>} : memref<4096xf32, #tpu.memory_space<vmem>>, vector<16xf32>,
        tpu.vector_store %arg8[%parallel_loop3A_150], %parallel_loop3A_147 {strides = array<i32>} : memref<4096xf32, #tpu.memory_space<vmem>>, vector<16xf32>,
      } {sc.loop_unroll_factor = 8 : i64, sc.parallel_access}
      %dma_start3A_102 = arith.constant 3 : i32
      %dma_start3A_103 = arith.constant 0 : i32
      %dma_start3A_104 = tpu.memref_slice %arg4[%dma_start3A_102, %add3A_22, %dma_start3A_103] : memref<5x1300x4096xf32, #tpu.memory_space<hbm>> -> memref<1x1x4096xf32, #tpu.memory_space<hbm>>
      %dma_start3A_105 = tpu.memref_squeeze %dma_start3A_104 : memref<1x1x4096xf32, #tpu.memory_space<hbm>> -> memref<4096xf32, #tpu.memory_space<hbm>>
      %dma_start3A_106 = arith.constant 0 : i32
      %dma_start3A_107 = tpu.memref_slice %arg4[%dma_start3A_102, %add3A_22, %dma_start3A_106] : memref<5x1300x4096xf32, #tpu.memory_space<hbm>> -> memref<1x1x4096xf32, #tpu.memory_space<hbm>>
      %dma_start3A_108 = tpu.memref_squeeze %dma_start3A_107 : memref<1x1x4096xf32, #tpu.memory_space<hbm>> -> memref<4096xf32, #tpu.memory_space<hbm>>
      tpu.enqueue_dma source(%arg8 : memref<4096xf32, #tpu.memory_space<vmem>>) target(%dma_start3A_108 : memref<4096xf32, #tpu.memory_space<hbm>>) target_semaphore(%arg10 : memref<!tpu.dma_semaphore, #tpu.memory_space<semaphore_mem>>)
      %dma_wait3A_109 = arith.constant 2 : i32
      %dma_wait3A_110 = arith.constant 0 : i32
      %dma_wait3A_111 = tpu.memref_slice %arg4[%dma_wait3A_109, %add3A_22, %dma_wait3A_110] : memref<5x1300x4096xf32, #tpu.memory_space<hbm>> -> memref<1x1x4096xf32, #tpu.memory_space<hbm>>
      %dma_wait3A_112 = tpu.memref_squeeze %dma_wait3A_111 : memref<1x1x4096xf32, #tpu.memory_space<hbm>> -> memref<4096xf32, #tpu.memory_space<hbm>>
      %dma_wait3A_113 = arith.constant 0 : i32
      %dma_wait3A_114 = tpu.memref_slice %arg4[%dma_wait3A_109, %add3A_22, %dma_wait3A_113] : memref<5x1300x4096xf32, #tpu.memory_space<hbm>> -> memref<1x1x4096xf32, #tpu.memory_space<hbm>>
      %dma_wait3A_115 = tpu.memref_squeeze %dma_wait3A_114 : memref<1x1x4096xf32, #tpu.memory_space<hbm>> -> memref<4096xf32, #tpu.memory_space<hbm>>
      tpu.wait_dma2 semaphore(%arg9 : memref<!tpu.dma_semaphore, #tpu.memory_space<semaphore_mem>>) src(%dma_wait3A_115 : memref<4096xf32, #tpu.memory_space<hbm>>) dst(%arg7 : memref<4096xf32, #tpu.memory_space<vmem>>)
      %parallel_loop3A_116 = arith.constant 0 : i32
      %parallel_loop3A_117 = arith.constant 256 : i32
      %parallel_loop3A_118 = arith.constant 1 : i32
      scf.for %parallel_loop3A_140 = %parallel_loop3A_116 to %parallel_loop3A_117 step %parallel_loop3A_118  : i32 {
        %parallel_loop3A_141 = arith.constant 16 : i32
        %parallel_loop3A_142 = arith.muli %parallel_loop3A_140, %parallel_loop3A_141 : i32
        %parallel_loop3A_143 = arith.constant 16384 : i32
        %parallel_loop3A_144 = arith.addi %parallel_loop3A_143, %parallel_loop3A_142 : i32
        %parallel_loop3A_145 = arith.index_cast %parallel_loop3A_144 : i32 to index
        %parallel_loop3A_146 = tpu.vector_load %arg6[%parallel_loop3A_145] {strides = array<i32>} : memref<20480xi32, #tpu.memory_space<vmem>>, vector<16xi32>,
        %parallel_loop3A_147 = tpu.vector_load_idx %arg5[%parallel_loop3A_146] : memref<100000xf32, #tpu.memory_space<vmem>>[vector<16xi32>], vector<16xf32>,
        %parallel_loop3A_148 = arith.constant 16 : i32
        %parallel_loop3A_149 = arith.muli %parallel_loop3A_140, %parallel_loop3A_148 : i32
        %parallel_loop3A_150 = arith.index_cast %parallel_loop3A_149 : i32 to index
        %parallel_loop3A_151 = tpu.vector_load %arg7[%parallel_loop3A_150] {strides = array<i32>} : memref<4096xf32, #tpu.memory_space<vmem>>, vector<16xf32>,
        tpu.vector_store %arg7[%parallel_loop3A_150], %parallel_loop3A_147 {strides = array<i32>} : memref<4096xf32, #tpu.memory_space<vmem>>, vector<16xf32>,
      } {sc.loop_unroll_factor = 8 : i64, sc.parallel_access}
      %dma_start3A_119 = arith.constant 4 : i32
      %dma_start3A_120 = arith.constant 0 : i32
      %dma_start3A_121 = tpu.memref_slice %arg4[%dma_start3A_119, %add3A_22, %dma_start3A_120] : memref<5x1300x4096xf32, #tpu.memory_space<hbm>> -> memref<1x1x4096xf32, #tpu.memory_space<hbm>>
      %dma_start3A_122 = tpu.memref_squeeze %dma_start3A_121 : memref<1x1x4096xf32, #tpu.memory_space<hbm>> -> memref<4096xf32, #tpu.memory_space<hbm>>
      %dma_start3A_123 = arith.constant 0 : i32
      %dma_start3A_124 = tpu.memref_slice %arg4[%dma_start3A_119, %add3A_22, %dma_start3A_123] : memref<5x1300x4096xf32, #tpu.memory_space<hbm>> -> memref<1x1x4096xf32, #tpu.memory_space<hbm>>
      %dma_start3A_125 = tpu.memref_squeeze %dma_start3A_124 : memref<1x1x4096xf32, #tpu.memory_space<hbm>> -> memref<4096xf32, #tpu.memory_space<hbm>>
      tpu.enqueue_dma source(%arg7 : memref<4096xf32, #tpu.memory_space<vmem>>) target(%dma_start3A_125 : memref<4096xf32, #tpu.memory_space<hbm>>) target_semaphore(%arg9 : memref<!tpu.dma_semaphore, #tpu.memory_space<semaphore_mem>>)
      %dma_wait3A_126 = arith.constant 3 : i32
      %dma_wait3A_127 = arith.constant 0 : i32
      %dma_wait3A_128 = tpu.memref_slice %arg4[%dma_wait3A_126, %add3A_22, %dma_wait3A_127] : memref<5x1300x4096xf32, #tpu.memory_space<hbm>> -> memref<1x1x4096xf32, #tpu.memory_space<hbm>>
      %dma_wait3A_129 = tpu.memref_squeeze %dma_wait3A_128 : memref<1x1x4096xf32, #tpu.memory_space<hbm>> -> memref<4096xf32, #tpu.memory_space<hbm>>
      %dma_wait3A_130 = arith.constant 0 : i32
      %dma_wait3A_131 = tpu.memref_slice %arg4[%dma_wait3A_126, %add3A_22, %dma_wait3A_130] : memref<5x1300x4096xf32, #tpu.memory_space<hbm>> -> memref<1x1x4096xf32, #tpu.memory_space<hbm>>
      %dma_wait3A_132 = tpu.memref_squeeze %dma_wait3A_131 : memref<1x1x4096xf32, #tpu.memory_space<hbm>> -> memref<4096xf32, #tpu.memory_space<hbm>>
      tpu.wait_dma2 semaphore(%arg10 : memref<!tpu.dma_semaphore, #tpu.memory_space<semaphore_mem>>) src(%dma_wait3A_132 : memref<4096xf32, #tpu.memory_space<hbm>>) dst(%arg8 : memref<4096xf32, #tpu.memory_space<vmem>>)
      %dma_wait3A_133 = arith.constant 4 : i32
      %dma_wait3A_134 = arith.constant 0 : i32
      %dma_wait3A_135 = tpu.memref_slice %arg4[%dma_wait3A_133, %add3A_22, %dma_wait3A_134] : memref<5x1300x4096xf32, #tpu.memory_space<hbm>> -> memref<1x1x4096xf32, #tpu.memory_space<hbm>>
      %dma_wait3A_136 = tpu.memref_squeeze %dma_wait3A_135 : memref<1x1x4096xf32, #tpu.memory_space<hbm>> -> memref<4096xf32, #tpu.memory_space<hbm>>
      %dma_wait3A_137 = arith.constant 0 : i32
      %dma_wait3A_138 = tpu.memref_slice %arg4[%dma_wait3A_133, %add3A_22, %dma_wait3A_137] : memref<5x1300x4096xf32, #tpu.memory_space<hbm>> -> memref<1x1x4096xf32, #tpu.memory_space<hbm>>
      %dma_wait3A_139 = tpu.memref_squeeze %dma_wait3A_138 : memref<1x1x4096xf32, #tpu.memory_space<hbm>> -> memref<4096xf32, #tpu.memory_space<hbm>>
      tpu.wait_dma2 semaphore(%arg9 : memref<!tpu.dma_semaphore, #tpu.memory_space<semaphore_mem>>) src(%dma_wait3A_139 : memref<4096xf32, #tpu.memory_space<hbm>>) dst(%arg7 : memref<4096xf32, #tpu.memory_space<vmem>>)
      scf.yield %select_n3A_40 : i32
    }
    %while3A_18 = arith.constant 1 : i32
    %while3A_19 = scf.for %while3A_20 = %while3A_15 to %while3A_11 step %while3A_18 iter_args(%while3A_21 = %while3A_17) -> (i32)  : i32 {
      %add3A_22 = arith.addi %add3A_4, %while3A_20 : i32
      %jit3A_23 = arith.constant 50 : i32
      %div3A = arith.divsi %add3A_22, %jit3A_23 : i32
      %sign3A = arith.constant 0 : i32
      %sign3A_24 = arith.cmpi sgt, %add3A_22, %sign3A : i32
      %sign3A_25 = arith.extui %sign3A_24 : i1 to i32
      %sign3A_26 = arith.constant 0 : i32
      %sign3A_27 = arith.cmpi slt, %add3A_22, %sign3A_26 : i32
      %sign3A_28 = arith.extui %sign3A_27 : i1 to i32
      %sign3A_29 = arith.subi %sign3A_25, %sign3A_28 : i32
      %sign3A_30 = arith.constant 0 : i32
      %sign3A_31 = arith.cmpi sgt, %jit3A_23, %sign3A_30 : i32
      %sign3A_32 = arith.extui %sign3A_31 : i1 to i32
      %sign3A_33 = arith.constant 0 : i32
      %sign3A_34 = arith.cmpi slt, %jit3A_23, %sign3A_33 : i32
      %sign3A_35 = arith.extui %sign3A_34 : i1 to i32
      %sign3A_36 = arith.subi %sign3A_32, %sign3A_35 : i32
      %ne3A = arith.cmpi ne, %sign3A_29, %sign3A_36 : i32
      %rem3A = arith.remsi %add3A_22, %jit3A_23 : i32
      %ne3A_37 = arith.constant 0 : i32
      %ne3A_38 = arith.cmpi ne, %rem3A, %ne3A_37 : i32
      %and3A = arith.andi %ne3A, %ne3A_38 : i1
      %sub3A = arith.constant 1 : i32
      %sub3A_39 = arith.subi %div3A, %sub3A : i32
      %select_n3A_40 = arith.select %and3A, %sub3A_39, %div3A : i32
      %jit3A_41 = arith.constant 50 : i32
      %eq3A = arith.constant 0 : i32
      %eq3A_42 = arith.cmpi eq, %jit3A_41, %eq3A : i32
      %jit3A_43 = arith.constant 1 : i32
      %select_n3A_44 = arith.select %eq3A_42, %jit3A_43, %jit3A_41 : i32
      %rem3A_45 = arith.remsi %add3A_22, %select_n3A_44 : i32
      %ne3A_46 = arith.constant 0 : i32
      %ne3A_47 = arith.cmpi ne, %rem3A_45, %ne3A_46 : i32
      %lt3A_48 = arith.constant 0 : i32
      %lt3A_49 = arith.cmpi slt, %rem3A_45, %lt3A_48 : i32
      %lt3A_50 = arith.constant 0 : i32
      %lt3A_51 = arith.cmpi slt, %select_n3A_44, %lt3A_50 : i32
      %ne3A_52 = arith.xori %lt3A_49, %lt3A_51 : i1
      %and3A_53 = arith.andi %ne3A_52, %ne3A_47 : i1
      %add3A_54 = arith.addi %rem3A_45, %select_n3A_44 : i32
      %select_n3A_55 = arith.select %and3A_53, %add3A_54, %rem3A_45 : i32
      %ne3A_56 = arith.cmpi ne, %select_n3A_40, %while3A_21 : i32
      %convert_element_type3A = arith.extui %ne3A_56 : i1 to i32
      %cond3A = arith.constant 0 : i32
      %cond3A_57 = arith.cmpi ne, %convert_element_type3A, %cond3A : i32
      scf.if %cond3A_57 {
        "tpu.region"() ({
          %run_scoped3A = tpu.sem_alloc : memref<!tpu.dma_semaphore, #tpu.memory_space<semaphore_mem>>
          %dma_start3A_140 = arith.constant 0 : i32
          %dma_start3A_141 = tpu.memref_slice %arg3[%select_n3A_40, %dma_start3A_140] : memref<26x20480xi32, #tpu.memory_space<hbm>> -> memref<1x20480xi32, #tpu.memory_space<hbm>>
          %dma_start3A_142 = tpu.memref_squeeze %dma_start3A_141 : memref<1x20480xi32, #tpu.memory_space<hbm>> -> memref<20480xi32, #tpu.memory_space<hbm>>
          %dma_start3A_143 = arith.constant 0 : i32
          %dma_start3A_144 = tpu.memref_slice %arg3[%select_n3A_40, %dma_start3A_143] : memref<26x20480xi32, #tpu.memory_space<hbm>> -> memref<1x20480xi32, #tpu.memory_space<hbm>>
          %dma_start3A_145 = tpu.memref_squeeze %dma_start3A_144 : memref<1x20480xi32, #tpu.memory_space<hbm>> -> memref<20480xi32, #tpu.memory_space<hbm>>
          tpu.enqueue_dma source(%dma_start3A_145 : memref<20480xi32, #tpu.memory_space<hbm>>) target(%arg6 : memref<20480xi32, #tpu.memory_space<vmem>>) target_semaphore(%run_scoped3A : memref<!tpu.dma_semaphore, #tpu.memory_space<semaphore_mem>>)
          %dma_wait3A_146 = arith.constant 0 : i32
          %dma_wait3A_147 = tpu.memref_slice %arg3[%select_n3A_40, %dma_wait3A_146] : memref<26x20480xi32, #tpu.memory_space<hbm>> -> memref<1x20480xi32, #tpu.memory_space<hbm>>
          %dma_wait3A_148 = tpu.memref_squeeze %dma_wait3A_147 : memref<1x20480xi32, #tpu.memory_space<hbm>> -> memref<20480xi32, #tpu.memory_space<hbm>>
          %dma_wait3A_149 = arith.constant 0 : i32
          %dma_wait3A_150 = tpu.memref_slice %arg3[%select_n3A_40, %dma_wait3A_149] : memref<26x20480xi32, #tpu.memory_space<hbm>> -> memref<1x20480xi32, #tpu.memory_space<hbm>>
          %dma_wait3A_151 = tpu.memref_squeeze %dma_wait3A_150 : memref<1x20480xi32, #tpu.memory_space<hbm>> -> memref<20480xi32, #tpu.memory_space<hbm>>
          tpu.wait_dma2 semaphore(%run_scoped3A : memref<!tpu.dma_semaphore, #tpu.memory_space<semaphore_mem>>) src(%dma_wait3A_151 : memref<20480xi32, #tpu.memory_space<hbm>>) dst(%arg6 : memref<20480xi32, #tpu.memory_space<vmem>>)
          tpu.yield
        }) : () -> ()
      } else {
      }
      "tpu.region"() ({
        %run_scoped3A = tpu.sem_alloc : memref<!tpu.dma_semaphore, #tpu.memory_space<semaphore_mem>>
        %dma_start3A_140 = arith.constant 0 : i32
        %dma_start3A_141 = tpu.memref_slice %arg2[%select_n3A_40, %select_n3A_55, %dma_start3A_140] : memref<26x50x100000xf32, #tpu.memory_space<hbm>> -> memref<1x1x100000xf32, #tpu.memory_space<hbm>>
        %dma_start3A_142 = tpu.memref_squeeze %dma_start3A_141 : memref<1x1x100000xf32, #tpu.memory_space<hbm>> -> memref<100000xf32, #tpu.memory_space<hbm>>
        %dma_start3A_143 = arith.constant 0 : i32
        %dma_start3A_144 = tpu.memref_slice %arg2[%select_n3A_40, %select_n3A_55, %dma_start3A_143] : memref<26x50x100000xf32, #tpu.memory_space<hbm>> -> memref<1x1x100000xf32, #tpu.memory_space<hbm>>
        %dma_start3A_145 = tpu.memref_squeeze %dma_start3A_144 : memref<1x1x100000xf32, #tpu.memory_space<hbm>> -> memref<100000xf32, #tpu.memory_space<hbm>>
        tpu.enqueue_dma source(%dma_start3A_145 : memref<100000xf32, #tpu.memory_space<hbm>>) target(%arg5 : memref<100000xf32, #tpu.memory_space<vmem>>) target_semaphore(%run_scoped3A : memref<!tpu.dma_semaphore, #tpu.memory_space<semaphore_mem>>)
        %dma_wait3A_146 = arith.constant 0 : i32
        %dma_wait3A_147 = tpu.memref_slice %arg2[%select_n3A_40, %select_n3A_55, %dma_wait3A_146] : memref<26x50x100000xf32, #tpu.memory_space<hbm>> -> memref<1x1x100000xf32, #tpu.memory_space<hbm>>
        %dma_wait3A_148 = tpu.memref_squeeze %dma_wait3A_147 : memref<1x1x100000xf32, #tpu.memory_space<hbm>> -> memref<100000xf32, #tpu.memory_space<hbm>>
        %dma_wait3A_149 = arith.constant 0 : i32
        %dma_wait3A_150 = tpu.memref_slice %arg2[%select_n3A_40, %select_n3A_55, %dma_wait3A_149] : memref<26x50x100000xf32, #tpu.memory_space<hbm>> -> memref<1x1x100000xf32, #tpu.memory_space<hbm>>
        %dma_wait3A_151 = tpu.memref_squeeze %dma_wait3A_150 : memref<1x1x100000xf32, #tpu.memory_space<hbm>> -> memref<100000xf32, #tpu.memory_space<hbm>>
        tpu.wait_dma2 semaphore(%run_scoped3A : memref<!tpu.dma_semaphore, #tpu.memory_space<semaphore_mem>>) src(%dma_wait3A_151 : memref<100000xf32, #tpu.memory_space<hbm>>) dst(%arg5 : memref<100000xf32, #tpu.memory_space<vmem>>)
        tpu.yield
      }) : () -> ()
      %parallel_loop3A = arith.constant 0 : i32
      %parallel_loop3A_58 = arith.constant 256 : i32
      %parallel_loop3A_59 = arith.constant 1 : i32
      scf.for %parallel_loop3A_140 = %parallel_loop3A to %parallel_loop3A_58 step %parallel_loop3A_59  : i32 {
        %parallel_loop3A_141 = arith.constant 16 : i32
        %parallel_loop3A_142 = arith.muli %parallel_loop3A_140, %parallel_loop3A_141 : i32
        %parallel_loop3A_143 = arith.constant 0 : i32
        %parallel_loop3A_144 = arith.addi %parallel_loop3A_143, %parallel_loop3A_142 : i32
        %parallel_loop3A_145 = arith.index_cast %parallel_loop3A_144 : i32 to index
        %parallel_loop3A_146 = tpu.vector_load %arg6[%parallel_loop3A_145] {strides = array<i32>} : memref<20480xi32, #tpu.memory_space<vmem>>, vector<16xi32>,
        %parallel_loop3A_147 = tpu.vector_load_idx %arg5[%parallel_loop3A_146] : memref<100000xf32, #tpu.memory_space<vmem>>[vector<16xi32>], vector<16xf32>,
        %parallel_loop3A_148 = arith.constant 16 : i32
        %parallel_loop3A_149 = arith.muli %parallel_loop3A_140, %parallel_loop3A_148 : i32
        %parallel_loop3A_150 = arith.index_cast %parallel_loop3A_149 : i32 to index
        %parallel_loop3A_151 = tpu.vector_load %arg7[%parallel_loop3A_150] {strides = array<i32>} : memref<4096xf32, #tpu.memory_space<vmem>>, vector<16xf32>,
        tpu.vector_store %arg7[%parallel_loop3A_150], %parallel_loop3A_147 {strides = array<i32>} : memref<4096xf32, #tpu.memory_space<vmem>>, vector<16xf32>,
      } {sc.loop_unroll_factor = 8 : i64, sc.parallel_access}
      %dma_start3A = arith.constant 0 : i32
      %dma_start3A_60 = arith.constant 0 : i32
      %dma_start3A_61 = tpu.memref_slice %arg4[%dma_start3A, %add3A_22, %dma_start3A_60] : memref<5x1300x4096xf32, #tpu.memory_space<hbm>> -> memref<1x1x4096xf32, #tpu.memory_space<hbm>>
      %dma_start3A_62 = tpu.memref_squeeze %dma_start3A_61 : memref<1x1x4096xf32, #tpu.memory_space<hbm>> -> memref<4096xf32, #tpu.memory_space<hbm>>
      %dma_start3A_63 = arith.constant 0 : i32
      %dma_start3A_64 = tpu.memref_slice %arg4[%dma_start3A, %add3A_22, %dma_start3A_63] : memref<5x1300x4096xf32, #tpu.memory_space<hbm>> -> memref<1x1x4096xf32, #tpu.memory_space<hbm>>
      %dma_start3A_65 = tpu.memref_squeeze %dma_start3A_64 : memref<1x1x4096xf32, #tpu.memory_space<hbm>> -> memref<4096xf32, #tpu.memory_space<hbm>>
      tpu.enqueue_dma source(%arg7 : memref<4096xf32, #tpu.memory_space<vmem>>) target(%dma_start3A_65 : memref<4096xf32, #tpu.memory_space<hbm>>) target_semaphore(%arg9 : memref<!tpu.dma_semaphore, #tpu.memory_space<semaphore_mem>>)
      %parallel_loop3A_66 = arith.constant 0 : i32
      %parallel_loop3A_67 = arith.constant 256 : i32
      %parallel_loop3A_68 = arith.constant 1 : i32
      scf.for %parallel_loop3A_140 = %parallel_loop3A_66 to %parallel_loop3A_67 step %parallel_loop3A_68  : i32 {
        %parallel_loop3A_141 = arith.constant 16 : i32
        %parallel_loop3A_142 = arith.muli %parallel_loop3A_140, %parallel_loop3A_141 : i32
        %parallel_loop3A_143 = arith.constant 4096 : i32
        %parallel_loop3A_144 = arith.addi %parallel_loop3A_143, %parallel_loop3A_142 : i32
        %parallel_loop3A_145 = arith.index_cast %parallel_loop3A_144 : i32 to index
        %parallel_loop3A_146 = tpu.vector_load %arg6[%parallel_loop3A_145] {strides = array<i32>} : memref<20480xi32, #tpu.memory_space<vmem>>, vector<16xi32>,
        %parallel_loop3A_147 = tpu.vector_load_idx %arg5[%parallel_loop3A_146] : memref<100000xf32, #tpu.memory_space<vmem>>[vector<16xi32>], vector<16xf32>,
        %parallel_loop3A_148 = arith.constant 16 : i32
        %parallel_loop3A_149 = arith.muli %parallel_loop3A_140, %parallel_loop3A_148 : i32
        %parallel_loop3A_150 = arith.index_cast %parallel_loop3A_149 : i32 to index
        %parallel_loop3A_151 = tpu.vector_load %arg8[%parallel_loop3A_150] {strides = array<i32>} : memref<4096xf32, #tpu.memory_space<vmem>>, vector<16xf32>,
        tpu.vector_store %arg8[%parallel_loop3A_150], %parallel_loop3A_147 {strides = array<i32>} : memref<4096xf32, #tpu.memory_space<vmem>>, vector<16xf32>,
      } {sc.loop_unroll_factor = 8 : i64, sc.parallel_access}
      %dma_start3A_69 = arith.constant 1 : i32
      %dma_start3A_70 = arith.constant 0 : i32
      %dma_start3A_71 = tpu.memref_slice %arg4[%dma_start3A_69, %add3A_22, %dma_start3A_70] : memref<5x1300x4096xf32, #tpu.memory_space<hbm>> -> memref<1x1x4096xf32, #tpu.memory_space<hbm>>
      %dma_start3A_72 = tpu.memref_squeeze %dma_start3A_71 : memref<1x1x4096xf32, #tpu.memory_space<hbm>> -> memref<4096xf32, #tpu.memory_space<hbm>>
      %dma_start3A_73 = arith.constant 0 : i32
      %dma_start3A_74 = tpu.memref_slice %arg4[%dma_start3A_69, %add3A_22, %dma_start3A_73] : memref<5x1300x4096xf32, #tpu.memory_space<hbm>> -> memref<1x1x4096xf32, #tpu.memory_space<hbm>>
      %dma_start3A_75 = tpu.memref_squeeze %dma_start3A_74 : memref<1x1x4096xf32, #tpu.memory_space<hbm>> -> memref<4096xf32, #tpu.memory_space<hbm>>
      tpu.enqueue_dma source(%arg8 : memref<4096xf32, #tpu.memory_space<vmem>>) target(%dma_start3A_75 : memref<4096xf32, #tpu.memory_space<hbm>>) target_semaphore(%arg10 : memref<!tpu.dma_semaphore, #tpu.memory_space<semaphore_mem>>)
      %dma_wait3A = arith.constant 0 : i32
      %dma_wait3A_76 = arith.constant 0 : i32
      %dma_wait3A_77 = tpu.memref_slice %arg4[%dma_wait3A, %add3A_22, %dma_wait3A_76] : memref<5x1300x4096xf32, #tpu.memory_space<hbm>> -> memref<1x1x4096xf32, #tpu.memory_space<hbm>>
      %dma_wait3A_78 = tpu.memref_squeeze %dma_wait3A_77 : memref<1x1x4096xf32, #tpu.memory_space<hbm>> -> memref<4096xf32, #tpu.memory_space<hbm>>
      %dma_wait3A_79 = arith.constant 0 : i32
      %dma_wait3A_80 = tpu.memref_slice %arg4[%dma_wait3A, %add3A_22, %dma_wait3A_79] : memref<5x1300x4096xf32, #tpu.memory_space<hbm>> -> memref<1x1x4096xf32, #tpu.memory_space<hbm>>
      %dma_wait3A_81 = tpu.memref_squeeze %dma_wait3A_80 : memref<1x1x4096xf32, #tpu.memory_space<hbm>> -> memref<4096xf32, #tpu.memory_space<hbm>>
      tpu.wait_dma2 semaphore(%arg9 : memref<!tpu.dma_semaphore, #tpu.memory_space<semaphore_mem>>) src(%dma_wait3A_81 : memref<4096xf32, #tpu.memory_space<hbm>>) dst(%arg7 : memref<4096xf32, #tpu.memory_space<vmem>>)
      %parallel_loop3A_82 = arith.constant 0 : i32
      %parallel_loop3A_83 = arith.constant 256 : i32
      %parallel_loop3A_84 = arith.constant 1 : i32
      scf.for %parallel_loop3A_140 = %parallel_loop3A_82 to %parallel_loop3A_83 step %parallel_loop3A_84  : i32 {
        %parallel_loop3A_141 = arith.constant 16 : i32
        %parallel_loop3A_142 = arith.muli %parallel_loop3A_140, %parallel_loop3A_141 : i32
        %parallel_loop3A_143 = arith.constant 8192 : i32
        %parallel_loop3A_144 = arith.addi %parallel_loop3A_143, %parallel_loop3A_142 : i32
        %parallel_loop3A_145 = arith.index_cast %parallel_loop3A_144 : i32 to index
        %parallel_loop3A_146 = tpu.vector_load %arg6[%parallel_loop3A_145] {strides = array<i32>} : memref<20480xi32, #tpu.memory_space<vmem>>, vector<16xi32>,
        %parallel_loop3A_147 = tpu.vector_load_idx %arg5[%parallel_loop3A_146] : memref<100000xf32, #tpu.memory_space<vmem>>[vector<16xi32>], vector<16xf32>,
        %parallel_loop3A_148 = arith.constant 16 : i32
        %parallel_loop3A_149 = arith.muli %parallel_loop3A_140, %parallel_loop3A_148 : i32
        %parallel_loop3A_150 = arith.index_cast %parallel_loop3A_149 : i32 to index
        %parallel_loop3A_151 = tpu.vector_load %arg7[%parallel_loop3A_150] {strides = array<i32>} : memref<4096xf32, #tpu.memory_space<vmem>>, vector<16xf32>,
        tpu.vector_store %arg7[%parallel_loop3A_150], %parallel_loop3A_147 {strides = array<i32>} : memref<4096xf32, #tpu.memory_space<vmem>>, vector<16xf32>,
      } {sc.loop_unroll_factor = 8 : i64, sc.parallel_access}
      %dma_start3A_85 = arith.constant 2 : i32
      %dma_start3A_86 = arith.constant 0 : i32
      %dma_start3A_87 = tpu.memref_slice %arg4[%dma_start3A_85, %add3A_22, %dma_start3A_86] : memref<5x1300x4096xf32, #tpu.memory_space<hbm>> -> memref<1x1x4096xf32, #tpu.memory_space<hbm>>
      %dma_start3A_88 = tpu.memref_squeeze %dma_start3A_87 : memref<1x1x4096xf32, #tpu.memory_space<hbm>> -> memref<4096xf32, #tpu.memory_space<hbm>>
      %dma_start3A_89 = arith.constant 0 : i32
      %dma_start3A_90 = tpu.memref_slice %arg4[%dma_start3A_85, %add3A_22, %dma_start3A_89] : memref<5x1300x4096xf32, #tpu.memory_space<hbm>> -> memref<1x1x4096xf32, #tpu.memory_space<hbm>>
      %dma_start3A_91 = tpu.memref_squeeze %dma_start3A_90 : memref<1x1x4096xf32, #tpu.memory_space<hbm>> -> memref<4096xf32, #tpu.memory_space<hbm>>
      tpu.enqueue_dma source(%arg7 : memref<4096xf32, #tpu.memory_space<vmem>>) target(%dma_start3A_91 : memref<4096xf32, #tpu.memory_space<hbm>>) target_semaphore(%arg9 : memref<!tpu.dma_semaphore, #tpu.memory_space<semaphore_mem>>)
      %dma_wait3A_92 = arith.constant 1 : i32
      %dma_wait3A_93 = arith.constant 0 : i32
      %dma_wait3A_94 = tpu.memref_slice %arg4[%dma_wait3A_92, %add3A_22, %dma_wait3A_93] : memref<5x1300x4096xf32, #tpu.memory_space<hbm>> -> memref<1x1x4096xf32, #tpu.memory_space<hbm>>
      %dma_wait3A_95 = tpu.memref_squeeze %dma_wait3A_94 : memref<1x1x4096xf32, #tpu.memory_space<hbm>> -> memref<4096xf32, #tpu.memory_space<hbm>>
      %dma_wait3A_96 = arith.constant 0 : i32
      %dma_wait3A_97 = tpu.memref_slice %arg4[%dma_wait3A_92, %add3A_22, %dma_wait3A_96] : memref<5x1300x4096xf32, #tpu.memory_space<hbm>> -> memref<1x1x4096xf32, #tpu.memory_space<hbm>>
      %dma_wait3A_98 = tpu.memref_squeeze %dma_wait3A_97 : memref<1x1x4096xf32, #tpu.memory_space<hbm>> -> memref<4096xf32, #tpu.memory_space<hbm>>
      tpu.wait_dma2 semaphore(%arg10 : memref<!tpu.dma_semaphore, #tpu.memory_space<semaphore_mem>>) src(%dma_wait3A_98 : memref<4096xf32, #tpu.memory_space<hbm>>) dst(%arg8 : memref<4096xf32, #tpu.memory_space<vmem>>)
      %parallel_loop3A_99 = arith.constant 0 : i32
      %parallel_loop3A_100 = arith.constant 256 : i32
      %parallel_loop3A_101 = arith.constant 1 : i32
      scf.for %parallel_loop3A_140 = %parallel_loop3A_99 to %parallel_loop3A_100 step %parallel_loop3A_101  : i32 {
        %parallel_loop3A_141 = arith.constant 16 : i32
        %parallel_loop3A_142 = arith.muli %parallel_loop3A_140, %parallel_loop3A_141 : i32
        %parallel_loop3A_143 = arith.constant 12288 : i32
        %parallel_loop3A_144 = arith.addi %parallel_loop3A_143, %parallel_loop3A_142 : i32
        %parallel_loop3A_145 = arith.index_cast %parallel_loop3A_144 : i32 to index
        %parallel_loop3A_146 = tpu.vector_load %arg6[%parallel_loop3A_145] {strides = array<i32>} : memref<20480xi32, #tpu.memory_space<vmem>>, vector<16xi32>,
        %parallel_loop3A_147 = tpu.vector_load_idx %arg5[%parallel_loop3A_146] : memref<100000xf32, #tpu.memory_space<vmem>>[vector<16xi32>], vector<16xf32>,
        %parallel_loop3A_148 = arith.constant 16 : i32
        %parallel_loop3A_149 = arith.muli %parallel_loop3A_140, %parallel_loop3A_148 : i32
        %parallel_loop3A_150 = arith.index_cast %parallel_loop3A_149 : i32 to index
        %parallel_loop3A_151 = tpu.vector_load %arg8[%parallel_loop3A_150] {strides = array<i32>} : memref<4096xf32, #tpu.memory_space<vmem>>, vector<16xf32>,
        tpu.vector_store %arg8[%parallel_loop3A_150], %parallel_loop3A_147 {strides = array<i32>} : memref<4096xf32, #tpu.memory_space<vmem>>, vector<16xf32>,
      } {sc.loop_unroll_factor = 8 : i64, sc.parallel_access}
      %dma_start3A_102 = arith.constant 3 : i32
      %dma_start3A_103 = arith.constant 0 : i32
      %dma_start3A_104 = tpu.memref_slice %arg4[%dma_start3A_102, %add3A_22, %dma_start3A_103] : memref<5x1300x4096xf32, #tpu.memory_space<hbm>> -> memref<1x1x4096xf32, #tpu.memory_space<hbm>>
      %dma_start3A_105 = tpu.memref_squeeze %dma_start3A_104 : memref<1x1x4096xf32, #tpu.memory_space<hbm>> -> memref<4096xf32, #tpu.memory_space<hbm>>
      %dma_start3A_106 = arith.constant 0 : i32
      %dma_start3A_107 = tpu.memref_slice %arg4[%dma_start3A_102, %add3A_22, %dma_start3A_106] : memref<5x1300x4096xf32, #tpu.memory_space<hbm>> -> memref<1x1x4096xf32, #tpu.memory_space<hbm>>
      %dma_start3A_108 = tpu.memref_squeeze %dma_start3A_107 : memref<1x1x4096xf32, #tpu.memory_space<hbm>> -> memref<4096xf32, #tpu.memory_space<hbm>>
      tpu.enqueue_dma source(%arg8 : memref<4096xf32, #tpu.memory_space<vmem>>) target(%dma_start3A_108 : memref<4096xf32, #tpu.memory_space<hbm>>) target_semaphore(%arg10 : memref<!tpu.dma_semaphore, #tpu.memory_space<semaphore_mem>>)
      %dma_wait3A_109 = arith.constant 2 : i32
      %dma_wait3A_110 = arith.constant 0 : i32
      %dma_wait3A_111 = tpu.memref_slice %arg4[%dma_wait3A_109, %add3A_22, %dma_wait3A_110] : memref<5x1300x4096xf32, #tpu.memory_space<hbm>> -> memref<1x1x4096xf32, #tpu.memory_space<hbm>>
      %dma_wait3A_112 = tpu.memref_squeeze %dma_wait3A_111 : memref<1x1x4096xf32, #tpu.memory_space<hbm>> -> memref<4096xf32, #tpu.memory_space<hbm>>
      %dma_wait3A_113 = arith.constant 0 : i32
      %dma_wait3A_114 = tpu.memref_slice %arg4[%dma_wait3A_109, %add3A_22, %dma_wait3A_113] : memref<5x1300x4096xf32, #tpu.memory_space<hbm>> -> memref<1x1x4096xf32, #tpu.memory_space<hbm>>
      %dma_wait3A_115 = tpu.memref_squeeze %dma_wait3A_114 : memref<1x1x4096xf32, #tpu.memory_space<hbm>> -> memref<4096xf32, #tpu.memory_space<hbm>>
      tpu.wait_dma2 semaphore(%arg9 : memref<!tpu.dma_semaphore, #tpu.memory_space<semaphore_mem>>) src(%dma_wait3A_115 : memref<4096xf32, #tpu.memory_space<hbm>>) dst(%arg7 : memref<4096xf32, #tpu.memory_space<vmem>>)
      %parallel_loop3A_116 = arith.constant 0 : i32
      %parallel_loop3A_117 = arith.constant 256 : i32
      %parallel_loop3A_118 = arith.constant 1 : i32
      scf.for %parallel_loop3A_140 = %parallel_loop3A_116 to %parallel_loop3A_117 step %parallel_loop3A_118  : i32 {
        %parallel_loop3A_141 = arith.constant 16 : i32
        %parallel_loop3A_142 = arith.muli %parallel_loop3A_140, %parallel_loop3A_141 : i32
        %parallel_loop3A_143 = arith.constant 16384 : i32
        %parallel_loop3A_144 = arith.addi %parallel_loop3A_143, %parallel_loop3A_142 : i32
        %parallel_loop3A_145 = arith.index_cast %parallel_loop3A_144 : i32 to index
        %parallel_loop3A_146 = tpu.vector_load %arg6[%parallel_loop3A_145] {strides = array<i32>} : memref<20480xi32, #tpu.memory_space<vmem>>, vector<16xi32>,
        %parallel_loop3A_147 = tpu.vector_load_idx %arg5[%parallel_loop3A_146] : memref<100000xf32, #tpu.memory_space<vmem>>[vector<16xi32>], vector<16xf32>,
        %parallel_loop3A_148 = arith.constant 16 : i32
        %parallel_loop3A_149 = arith.muli %parallel_loop3A_140, %parallel_loop3A_148 : i32
        %parallel_loop3A_150 = arith.index_cast %parallel_loop3A_149 : i32 to index
        %parallel_loop3A_151 = tpu.vector_load %arg7[%parallel_loop3A_150] {strides = array<i32>} : memref<4096xf32, #tpu.memory_space<vmem>>, vector<16xf32>,
        tpu.vector_store %arg7[%parallel_loop3A_150], %parallel_loop3A_147 {strides = array<i32>} : memref<4096xf32, #tpu.memory_space<vmem>>, vector<16xf32>,
      } {sc.loop_unroll_factor = 8 : i64, sc.parallel_access}
      %dma_start3A_119 = arith.constant 4 : i32
      %dma_start3A_120 = arith.constant 0 : i32
      %dma_start3A_121 = tpu.memref_slice %arg4[%dma_start3A_119, %add3A_22, %dma_start3A_120] : memref<5x1300x4096xf32, #tpu.memory_space<hbm>> -> memref<1x1x4096xf32, #tpu.memory_space<hbm>>
      %dma_start3A_122 = tpu.memref_squeeze %dma_start3A_121 : memref<1x1x4096xf32, #tpu.memory_space<hbm>> -> memref<4096xf32, #tpu.memory_space<hbm>>
      %dma_start3A_123 = arith.constant 0 : i32
      %dma_start3A_124 = tpu.memref_slice %arg4[%dma_start3A_119, %add3A_22, %dma_start3A_123] : memref<5x1300x4096xf32, #tpu.memory_space<hbm>> -> memref<1x1x4096xf32, #tpu.memory_space<hbm>>
      %dma_start3A_125 = tpu.memref_squeeze %dma_start3A_124 : memref<1x1x4096xf32, #tpu.memory_space<hbm>> -> memref<4096xf32, #tpu.memory_space<hbm>>
      tpu.enqueue_dma source(%arg7 : memref<4096xf32, #tpu.memory_space<vmem>>) target(%dma_start3A_125 : memref<4096xf32, #tpu.memory_space<hbm>>) target_semaphore(%arg9 : memref<!tpu.dma_semaphore, #tpu.memory_space<semaphore_mem>>)
      %dma_wait3A_126 = arith.constant 3 : i32
      %dma_wait3A_127 = arith.constant 0 : i32
      %dma_wait3A_128 = tpu.memref_slice %arg4[%dma_wait3A_126, %add3A_22, %dma_wait3A_127] : memref<5x1300x4096xf32, #tpu.memory_space<hbm>> -> memref<1x1x4096xf32, #tpu.memory_space<hbm>>
      %dma_wait3A_129 = tpu.memref_squeeze %dma_wait3A_128 : memref<1x1x4096xf32, #tpu.memory_space<hbm>> -> memref<4096xf32, #tpu.memory_space<hbm>>
      %dma_wait3A_130 = arith.constant 0 : i32
      %dma_wait3A_131 = tpu.memref_slice %arg4[%dma_wait3A_126, %add3A_22, %dma_wait3A_130] : memref<5x1300x4096xf32, #tpu.memory_space<hbm>> -> memref<1x1x4096xf32, #tpu.memory_space<hbm>>
      %dma_wait3A_132 = tpu.memref_squeeze %dma_wait3A_131 : memref<1x1x4096xf32, #tpu.memory_space<hbm>> -> memref<4096xf32, #tpu.memory_space<hbm>>
      tpu.wait_dma2 semaphore(%arg10 : memref<!tpu.dma_semaphore, #tpu.memory_space<semaphore_mem>>) src(%dma_wait3A_132 : memref<4096xf32, #tpu.memory_space<hbm>>) dst(%arg8 : memref<4096xf32, #tpu.memory_space<vmem>>)
      %dma_wait3A_133 = arith.constant 4 : i32
      %dma_wait3A_134 = arith.constant 0 : i32
      %dma_wait3A_135 = tpu.memref_slice %arg4[%dma_wait3A_133, %add3A_22, %dma_wait3A_134] : memref<5x1300x4096xf32, #tpu.memory_space<hbm>> -> memref<1x1x4096xf32, #tpu.memory_space<hbm>>
      %dma_wait3A_136 = tpu.memref_squeeze %dma_wait3A_135 : memref<1x1x4096xf32, #tpu.memory_space<hbm>> -> memref<4096xf32, #tpu.memory_space<hbm>>
      %dma_wait3A_137 = arith.constant 0 : i32
      %dma_wait3A_138 = tpu.memref_slice %arg4[%dma_wait3A_133, %add3A_22, %dma_wait3A_137] : memref<5x1300x4096xf32, #tpu.memory_space<hbm>> -> memref<1x1x4096xf32, #tpu.memory_space<hbm>>
      %dma_wait3A_139 = tpu.memref_squeeze %dma_wait3A_138 : memref<1x1x4096xf32, #tpu.memory_space<hbm>> -> memref<4096xf32, #tpu.memory_space<hbm>>
      tpu.wait_dma2 semaphore(%arg9 : memref<!tpu.dma_semaphore, #tpu.memory_space<semaphore_mem>>) src(%dma_wait3A_139 : memref<4096xf32, #tpu.memory_space<hbm>>) dst(%arg7 : memref<4096xf32, #tpu.memory_space<vmem>>)
      scf.yield %select_n3A_40 : i32
    }
    return
  }
}

</mosaic_0001>

<sc_bundles>
// kernel: _emb_gather.3.cloned.1.call-start
scs
__scs_entry_jumppad:
0x0: {  	(pc) =	sbr.rel $0x88, $3  }
0x1: {  	(tag) =	ssettag $0x0;
	lr =	simm.s32 $0x1  }
0x2: {  	[smem:$0x3F9F] =	sst lr;
	_ =	strace $0xD0000000  }
0x3: {  	_ = 	snop  }
0x4: {  	_ = 	snop  }
0x5: {  	_ = 	snop  }
0x6: {  	_ = 	snop  }
0x7: {  	_ = 	snop  }
__scs_overlays_trampoline_lowered:
0x8: {  	[smem:$0x3FAE] =	sst s0  }
0x9: {  	[smem:$0x3FAF] =	sst s1  }
0xa: {  	[smem:$0x3FB0] =	sst s2  }
0xb: {  	[smem:$0x3FB1] =	sst s3  }
0xc: {  	[smem:$0x3FB2] =	sst s4  }
0xd: {  	[smem:$0x3FB3] =	sst s5  }
0xe: {  	[smem:$0x3FB4] =	sst s6  }
0xf: {  	[smem:$0x3FB5] =	sst s7  }
0x10: {  	[smem:$0x3FB6] =	sst s8  }
0x11: {  	[smem:$0x3FB7] =	sst s9;
	s0 =	simm.s32 @!p0 $0x0  }
0x12: {  	s1 =	sld [smem:$0x3F9D];
	s0 =	simm.s32 @p0 $0x1  }
0x13: {  	[smem:$0x3FB8] =	sst s0;
	s0 =	simm.s32 @!p1 $0x0  }
0x14: {  	s2 =	sld [smem:$0x3F9C];
	s0 =	simm.s32 @p1 $0x1  }
0x15: {  	[smem:$0x3FB9] =	sst s0;
	s0 =	simm.s32 @!p2 $0x0  }
0x16: {  	s3 =	sld [smem:$0x3FDB];
	s0 =	simm.s32 @p2 $0x1  }
0x17: {  	s4 =	simm.s32 $0x1BF5;
	[smem:$0x3FBB] =	sst s0  }
0x18: {  	s0 =	sld [smem:$0x3F9E];
	_ =	swait.ge [sflag:s4], $0x0  }
0x19: {  	s7 =	sld [smem:$0x3F9F]  }
0x1a: {  	s8 =	sadd.s32 $0xFFFFE003, lr  }
0x1b: {  	s9 =	sadd.s32 $0xFFFFFEF7, lr;
	s5 =	simm.s32 $0xFFFFFFFF;
	p2 =	slt.u32 s8, $0xFFFFF086  }
0x1c: {  	p1 =	slt.u32 s9, $0xF7A;
	s5 =	simm.s32 @!p2 $0x0  }
0x1d: {  	s5 =	simm.s32 @p1 $0x1;
	p0 =	seq.s32 s7, s2  }
0x1e: {  	s7 =	smul.u32 @!p0 $0xF7A, s2;
	p2 =	seq.s32 @!p0 s5, $0x0  }
0x1f: {  	s9 =	smul.u32 $0xF7A, s1;
	s8 =	simm.s32 @!p0 $0x1BF5;
	p2 =	por !p2, p0  }
0x20: {  	[sflag:s8] =	ssyncset.s32 @!p0 $0xFFFFF086;
	s6 =	sadd.s32 @!p0 s3, s7;
	s7 =	simm.s32 @!p0 $0x108  }
0x21: {  	s3 =	sadd.s32 s3, s9;
	s6 =	sadd.s32 @!p0 $0x88, s6;
	s7 =	simm.s32 @p2 $0x1082  }
0x22: {  	[simem:s7], [sflag:s8] =	dma.local @!p0 [hbm:s6], $0xF7A  }
0x23: {  	s9 =	sor.u32 $0xD0000000, s2;
	s6 =	simm.s32 $0x108;
	_ =	swait.ge @!p0 [sflag:s8], $0x0  }
0x24: {  	s3 =	sadd.s32 $0x88, s3;
	s6 =	simm.s32 @!p1 $0x1082;
	[sflag:s4] =	ssyncset.s32 $0xFFFFF086  }
0x25: {  	[simem:s6], [sflag:s4] =	dma.local [hbm:s3], $0xF7A  }
0x26: {  	[smem:$0x3F9F] =	sst s1;
	(tag) =	ssettag s2;
	_ =	strace s9  }
0x27: {  	s1 =	sld [smem:$0x3FAF]  }
0x28: {  	s2 =	sld [smem:$0x3FB0]  }
0x29: {  	s4 =	sld [smem:$0x3FB2]  }
0x2a: {  	p0 =	seq.s32 s5, $0x0;
	s5 =	sld [smem:$0x3FB3]  }
0x2b: {  	s6 =	sld [smem:$0x3FB4]  }
0x2c: {  	s7 =	sld [smem:$0x3FB5]  }
0x2d: {  	s3 =	simm.s32 $0x108;
	s8 =	sld [smem:$0x3FB6]  }
0x2e: {  	s3 =	simm.s32 @!p0 $0x1082;
	s9 =	sld [smem:$0x3FB7]  }
0x2f: {  	lr =	sadd.s32 s0, s3;
	s0 =	sld [smem:$0x3FAE]  }
0x30: {  	s3 =	sld [smem:$0x3FB1]  }
0x31: {  	[smem:$0x3FBA] =	sst s10  }
0x32: {  	s10 =	sld [smem:$0x3FB8];
	_ =	sdelay $0x3  }
0x33: {  	p0 =	seq.s32 s10, $0x1;
	s10 =	sld [smem:$0x3FBA];
	_ =	sdelay $0x3  }
0x34: {  	[smem:$0x3FBA] =	sst s10  }
0x35: {  	s10 =	sld [smem:$0x3FB9];
	_ =	sdelay $0x3  }
0x36: {  	p1 =	seq.s32 s10, $0x1;
	s10 =	sld [smem:$0x3FBA];
	_ =	sdelay $0x3  }
0x37: {  	[smem:$0x3FBA] =	sst s10  }
0x38: {  	s10 =	sld [smem:$0x3FBB]  }
0x39: {  	_ = 	snop;
	(pc) =	sbr.ind lr, $3  }
0x3a: {  	_ = 	snop  }
0x3b: {  	_ = 	snop  }
0x3c: {  	p2 =	seq.s32 s10, $0x1;
	s10 =	sld [smem:$0x3FBA]  }
0x3d: {  	_ =	shalt  }
0x3e: {  	_ =	shalt  }
0x3f: {  	_ =	shalt  }
0x40: {  	_ =	shalt  }
0x41: {  	_ =	shalt  }
0x42: {  	_ =	shalt  }
0x43: {  	_ =	shalt  }
0x44: {  	_ =	shalt  }
0x45: {  	_ =	shalt  }
0x46: {  	_ =	shalt  }
0x47: {  	_ =	shalt  }
0x48: {  	_ =	shalt  }
0x49: {  	_ =	shalt  }
0x4a: {  	_ =	shalt  }
0x4b: {  	_ =	shalt  }
0x4c: {  	_ =	shalt  }
0x4d: {  	_ =	shalt  }
0x4e: {  	_ =	shalt  }
0x4f: {  	_ =	shalt  }
0x50: {  	_ =	shalt  }
0x51: {  	_ =	shalt  }
0x52: {  	_ =	shalt  }
0x53: {  	_ =	shalt  }
0x54: {  	_ =	shalt  }
0x55: {  	_ =	shalt  }
0x56: {  	_ =	shalt  }
0x57: {  	_ =	shalt  }
0x58: {  	_ =	shalt  }
0x59: {  	_ =	shalt  }
0x5a: {  	_ =	shalt  }
0x5b: {  	_ =	shalt  }
0x5c: {  	_ =	shalt  }
0x5d: {  	_ =	shalt  }
0x5e: {  	_ =	shalt  }
0x5f: {  	_ =	shalt  }
0x60: {  	_ =	shalt  }
0x61: {  	_ =	shalt  }
0x62: {  	_ =	shalt  }
0x63: {  	_ =	shalt  }
0x64: {  	_ =	shalt  }
0x65: {  	_ =	shalt  }
0x66: {  	_ =	shalt  }
0x67: {  	_ =	shalt  }
0x68: {  	_ =	shalt  }
0x69: {  	_ =	shalt  }
0x6a: {  	_ =	shalt  }
0x6b: {  	_ =	shalt  }
0x6c: {  	_ =	shalt  }
0x6d: {  	_ =	shalt  }
0x6e: {  	_ =	shalt  }
0x6f: {  	_ =	shalt  }
0x70: {  	_ =	shalt  }
0x71: {  	_ =	shalt  }
0x72: {  	_ =	shalt  }
0x73: {  	_ =	shalt  }
0x74: {  	_ =	shalt  }
0x75: {  	_ =	shalt  }
0x76: {  	_ =	shalt  }
0x77: {  	_ =	shalt  }
0x78: {  	_ =	shalt  }
0x79: {  	_ =	shalt  }
0x7a: {  	_ =	shalt  }
0x7b: {  	_ =	shalt  }
0x7c: {  	_ =	shalt  }
0x7d: {  	_ =	shalt  }
0x7e: {  	_ =	shalt  }
0x7f: {  	_ =	shalt  }
0x80: {  	_ =	shalt  }
0x81: {  	_ =	shalt  }
0x82: {  	_ =	shalt  }
0x83: {  	_ =	shalt  }
0x84: {  	_ =	shalt  }
0x85: {  	_ =	shalt  }
0x86: {  	_ =	shalt  }
0x87: {  	_ =	shalt  }
.Lfunc_end0:
.L_simem_size_0:
called_computation_lowered:
.L_overlay_start_0:
0x88: {  	s2 =	sld [smem:$0x3FD9]  }
0x89: {  	s3 =	sld [smem:$0x3FFE];
	_ =	sdelay $0x1  }
0x8a: {  	s1 =	srdreg.scid  }
0x8b: {  	s0 =	sand.u32 $0x1, s1  }
0x8c: {  	s18 =	sshll.u32 s0, $0xA;
	s2 =	sadd.s32 s3, s2  }
0x8d: {  	s2 =	sadd.s32 s2, s18  }
0x8e: {  	[smem:$0x3FC6] =	sst s2  }
0x8f: {  	_ = 	snop  }
0x90: {  	s2 =	sld [smem:$0x3FC9]  }
0x91: {  	s19 =	sld [smem:$0x3FC8]  }
0x92: {  	s4 =	sld [smem:$0x3FD0];
	(tm) =	ssettm $0x1  }
0x93: {  	s5 =	sld [smem:$0x3FFB];
	_ =	sdelay $0x3  }
0x94: {  	_ =	strace s5  }
0x95: {  	s5 =	sld [smem:$0x3FFC];
	_ =	sdelay $0x3  }
0x96: {  	_ =	strace s5  }
0x97: {  	s5 =	sld [smem:$0x3FFD];
	_ =	sdelay $0x3  }
0x98: {  	_ =	strace s5  }
0x99: {  	_ =	strace $0x8FFFFFFF  }
0x9a: {  	s20 =	sld [smem:$0x3FDB];
	_ =	sdelay $0x1  }
0x9b: {  	s6 =	simm.s32 $_scs_section_size  }
0x9c: {  	s7 =	simm.s32 $_size__tile_overlayer_lowered;
	s8 =	simm.s32 $_tile_overlayer_lowered  }
0x9d: {  	s23 =	simm.s32 $0x1BFF;
	s22 =	sshll.u32 s8, $0x1;
	s5 =	sadd.s32 s6, s20  }
0x9e: {  	s9 =	simm.s32 $0x0;
	s21 =	sshll.u32 s7, $0x1;
	s7 =	sadd.s32 s22, s5  }
0x9f: {  	[timem:s9], [sflag:s23] =	dma.local [hbm:s7], s21  }
0xa0: {  	_ =	swait.ge [sflag:s23], s21  }
0xa1: {  	s6 =	ssub.s32 $0x0, s21;
	[sflag:s23] =	ssyncset.done $0x0  }
0xa2: {  	[sflag:s23] =	ssyncadd.s32 s6;
	_ =	sdelay $0x1  }
0xa3: {  	s24 =	simm.s32 $0x1B8B  }
0xa4: {  	_ =	swait.ge [sflag:s24], $0x1  }
0xa5: {  	[sflag:s24] =	ssyncset.done $0x0  }
0xa6: {  	s25 =	simm.s32 $0x1B8E;
	[sflag:s24] =	ssyncadd.s32 $0xFFFFFFFF  }
0xa7: {  	s26 =	simm.s32 $execute0_lowered;
	[smem:$0x3FD2] =	sst s25  }
0xa8: {  	s6 =	sshll.u32 s26, $0x1;
	_ =	strace $0x80000046;
	[dreg:$0x1] =	wrdreg $0xFFFFFFFF  }
0xa9: {  	s28 =	simm.s32 $_size_execute0_lowered;
	s5 =	sadd.s32 s5, s6;
	[dreg:$0x0] =	wrdreg $0x0  }
0xaa: {  	s6 =	sshll.u32 s28, $0x1;
	[dreg:$0x2] =	wrdreg s5  }
0xab: {  	[dreg:$0x3] =	wrdreg s6  }
0xac: {  	[dreg:$0x4] =	wrdreg $0xC0  }
0xad: {  	_ =	task [dreg:s9], $0x5FFFF  }
0xae: {  	[dreg:$0x1] =	wrdreg $0xFFFFFFFF  }
0xaf: {  	[dreg:$0x0] =	wrdreg $0x60  }
0xb0: {  	[dreg:$0x2] =	wrdreg s2  }
0xb1: {  	[dreg:$0x3] =	wrdreg s19  }
0xb2: {  	[dreg:$0x4] =	wrdreg s4  }
0xb3: {  	[dreg:$0x5] =	wrdreg $0x9  }
0xb4: {  	_ =	task.clear_ibuf [dreg:s9], $0x6FFFF;
	_ =	strace $0x90000046  }
0xb5: {  	s29 =	simm.s32 $0x9;
	_ =	strace $0x80000048  }
0xb6: {  	_ =	swait.ge [sflag:s29], $0x1  }
0xb7: {  	[sflag:s29] =	ssyncadd.s32 $0xFFFFFFFF  }
0xb8: {  	_ =	strace $0x90000048  }
0xb9: {  	_ =	sfence  }
0xba: {  	s30 =	sld [smem:$0x0];
	_ =	sdelay $0x2  }
0xbb: {  	s31 =	sshll.u32 s1, $0xD;
	s1 =	sshrl.u32 s1, $0x2  }
0xbc: {  	s3 =	sand.u32 $0x4000, s31;
	s1 =	sadd.s32 s1, s30  }
0xbd: {  	s0 =	sor.u32 s3, s0;
	s1 =	sshll.u32 s1, $0x11  }
0xbe: {  	s0 =	sor.u32 s1, s0  }
0xbf: {  	s0 =	sadd.s32 $0x8F2B, s0  }
0xc0: {  	[sflag:s0] =	ssyncadd.remote.s32 $0x1  }
0xc1: {  	_ =	sfence.sel $0xFFFF  }
0xc2: {  	[dreg:$0x0] =	wrdreg $0xFFFFFFFF;
	(pc) =	sbr.abs _section_cstart, $3  }
0xc3: {  	[dreg:$0x1] =	wrdreg $0xFFFFFFFF  }
0xc4: {  	_ =	task.clear_ibuf [dreg:s9], $0x2FFFF;
	_ =	strace $0x9FFFFFFF  }
0xc5: {  	(tm) =	ssettm $0x7FFFFFFF  }
tec
execute0_lowered:
.L_overlay_start_1:
0x0: {  	(tag) =	ssettag $0x1  }
0x1: {  	s1 =	rddreg [dreg:$0x0]  }
0x2: {  	s3 =	rddreg [dreg:$0x1]  }
0x3: {  	s4 =	rddreg [dreg:$0x2]  }
0x4: {  	s0 =	rddreg [dreg:$0x3]  }
0x5: {  	s6 =	srdreg.scid;
	s2 =	stileid.u32  }
0x6: {  	s5 =	simm.s32 $0x0;
	s11 =	simm.s32 $0x3;
	s12 =	simm.s32 $0x1D700  }
0x7: {  	s13 =	simm.s32 $0x1E700;
	s14 =	simm.s32 $0x1;
	s15 =	simm.s32 $0x2  }
0x8: {  	s16 =	simm.s32 $0x0;
	s6 =	sand.u32 $0x1, s6;
	s7 =	sshll.u32 s2, $0x1  }
0x9: {  	[smem:$0x7FF] =	sst s5;
	s8 =	ssub.s32 $0x2, s6;
	s6 =	sor.u32 s6, s7  }
0xa: {  	p0 =	slt.u32 s2, $0xA;
	_ =	strace $0x80000047;
	s9 =	smul.u32 $0x28, s6  }
0xb: {  	s31 =	sshrl.u32 s8, $0x1;
	s10 =	smin.u32 s6, $0x14;
	s6 =	simm.s32 $0x29  }
0xc: {  	s8 =	ssub.s32 s8, s31;
	s6 =	simm.s32 @!p0 $0x28;
	s7 =	sadd.s32 s10, s9  }
0xd: {  	s8 =	smax.u32 s8, $0x1;
	s9 =	simm.s32 $0x80;
	s10 =	simm.s32 $0x400  }
.LBB2_1:
0xe: {  	s17 =	simm.s32 $0xFFFFFFFF;
	s18 =	simm.s32 $0x0  }
.LBB2_2:
0xf: {  	s19 =	sadd.s32 s18, s7  }
0x10: {  	s20 =	smulhi.u32 $0x51EB851F, s19;
	_ =	sdelay $0x1  }
0x11: {  	s21 =	smov.u32 s17;
	s17 =	sshrl.u32 s20, $0x4  }
0x12: {  	p0 =	seq.s32 s17, s21  }
0x13: {  	s20 =	sshrl.u32 @!p0 s17, $0x3  }
0x14: {  	s21 =	sshll.u32 @!p0 s17, $0x7;
	s20 =	smul.u32 @!p0 $0x28000, s20  }
0x15: {  	s22 =	smul.u32 $0x32, s17;
	s21 =	sand.u32 @!p0 $0x380, s21  }
0x16: {  	s29 =	smul.u32 $0x558800, s17;
	s23 =	simm.s32 @!p0 $0x400;
	s20 =	sor.u32 @!p0 s21, s20  }
0x17: {  	s24 =	simm.s32 @!p0 $0x18700;
	s28 =	ssub.s32 s19, s22;
	s20 =	sshrl.u32 @!p0 s20, $0x3  }
0x18: {  	s22 =	simm.s32 @!p0 $0x80;
	s30 =	sshrl.u32 s28, $0x3;
	s20 =	sadd.s32 @!p0 s3, s20  }
0x19: {  	[tilespmem:s24], [sflag:$0x3] =	stream.strided.gather @!p0 [hbm4b:s20+s22], $0x5000, s23, s22, $0x38;
	[tilespmem:$0x1F700] =	vst v63  }
0x1a: {  	s22 =	smul.u32 $0xC3800, s30  }
0x1b: {  	s21 =	sshll.u32 s28, $0x7  }
0x1c: {  	s21 =	sand.u32 $0x380, s21;
	s23 =	simm.s32 @!p0 $0x3;
	s20 =	sadd.s32 s29, s22  }
0x1d: {  	_ =	swait.ge @!p0 [sflag:s23], $0x5000;
	s20 =	sor.u32 s21, s20  }
0x1e: {  	[sflag:s23] =	ssyncset.done @!p0 $0x0;
	s20 =	sshrl.u32 s20, $0x3  }
0x1f: {  	[sflag:s23] =	ssyncadd.s32 @!p0 $0xFFFFB000;
	s20 =	sadd.s32 s1, s20  }
0x20: {  	[tilespmem:s5], [sflag:$0x3] =	stream.strided.gather [hbm4b:s20+s9], $0x18700, s10, s9, $0x38;
	[tilespmem:$0x1F700] =	vst v63  }
0x21: {  	_ =	swait.ge [sflag:s11], $0x18700  }
0x22: {  	[sflag:s11] =	ssyncset.done $0x0  }
0x23: {  	s31 =	simm.s32 $0x18740;
	[sflag:s11] =	ssyncadd.s32 $0xFFFE7900  }
0x24: {  	v0 =	vld [tilespmem:s31+$0x30]  }
0x25: {  	v1 =	vld [tilespmem:s31+$0xFFFFFFD0]  }
0x26: {  	v2 =	vld [tilespmem:s31+$0xFFFFFFE0]  }
0x27: {  	v3 =	vld [tilespmem:s31+$0xFFFFFFF0]  }
0x28: {  	v6 =	vld [tilespmem:s31+$0x0]  }
0x29: {  	v7 =	vld [tilespmem:s31+$0x10]  }
0x2a: {  	v8 =	vld [tilespmem:s31+$0x20]  }
0x2b: {  	v9 =	vld [tilespmem:s31+$0xFFFFFFC0]  }
0x2c: {  	v10 =	vld.idx.msk [tilespmem:v0+s5+$0x0], $0xffff  }
0x2d: {  	v11 =	vld.idx.msk [tilespmem:v1+s5+$0x0], $0xffff  }
0x2e: {  	v5 =	vld.idx.msk [tilespmem:v2+s5+$0x0], $0xffff  }
0x2f: {  	v4 =	vld.idx.msk [tilespmem:v3+s5+$0x0], $0xffff  }
0x30: {  	v3 =	vld.idx.msk [tilespmem:v6+s5+$0x0], $0xffff  }
0x31: {  	s21 =	simm.s32 $0x1D740;
	v1 =	vld.idx.msk [tilespmem:v7+s5+$0x0], $0xffff  }
0x32: {  	v0 =	vld.idx.msk [tilespmem:v8+s5+$0x0], $0xffff;
	[tilespmem:s21+$0x30] =	vst v10  }
0x33: {  	s22 =	simm.s32 $0x187C0;
	s20 =	simm.s32 $0x0;
	v2 =	vld.idx.msk [tilespmem:v9+s5+$0x0], $0xffff;
	[tilespmem:s21+$0xFFFFFFD0] =	vst v11  }
.LBB2_3:
0x34: {  	v6 =	vld [tilespmem:s22+$0x30];
	s20 =	sadd.s32 $0x8, s20;
	[tilespmem:s21+$0xFFFFFFE0] =	vst v5  }
0x35: {  	v5 =	vld [tilespmem:s22+$0xFFFFFFD0];
	p0 =	slt.u32 s20, $0xF8;
	[tilespmem:s21+$0xFFFFFFF0] =	vst v4  }
0x36: {  	v4 =	vld [tilespmem:s22+$0xFFFFFFE0];
	[tilespmem:s21+$0x0] =	vst v3  }
0x37: {  	v3 =	vld [tilespmem:s22+$0xFFFFFFF0];
	[tilespmem:s21+$0x10] =	vst v1  }
0x38: {  	v1 =	vld [tilespmem:s22+$0x0];
	[tilespmem:s21+$0x20] =	vst v0  }
0x39: {  	v0 =	vld [tilespmem:s22+$0x10];
	[tilespmem:s21+$0xFFFFFFC0] =	vst v2  }
0x3a: {  	v2 =	vld [tilespmem:s22+$0x20]  }
0x3b: {  	v7 =	vld [tilespmem:s22+$0xFFFFFFC0]  }
0x3c: {  	v6 =	vld.idx.msk [tilespmem:v6+s5+$0x0], $0xffff  }
0x3d: {  	v8 =	vld.idx.msk [tilespmem:v5+s5+$0x0], $0xffff  }
0x3e: {  	v5 =	vld.idx.msk [tilespmem:v4+s5+$0x0], $0xffff  }
.Ltmp0:
0x3f: {  	v4 =	vld.idx.msk [tilespmem:v3+s5+$0x0], $0xffff;
	(pc) =	sbr.rel @p0 .LBB2_3-.Ltmp0, $4  }
0x40: {  	v3 =	vld.idx.msk [tilespmem:v1+s5+$0x0], $0xffff  }
0x41: {  	s21 =	sadd.s32 $0x80, s21;
	v1 =	vld.idx.msk [tilespmem:v0+s5+$0x0], $0xffff  }
0x42: {  	v0 =	vld.idx.msk [tilespmem:v2+s5+$0x0], $0xffff;
	[tilespmem:s21+$0x30] =	vst v6  }
0x43: {  	s22 =	sadd.s32 $0x80, s22;
	v2 =	vld.idx.msk [tilespmem:v7+s5+$0x0], $0xffff;
	[tilespmem:s21+$0xFFFFFFD0] =	vst v8  }
0x44: {  	[tilespmem:s21+$0xFFFFFFE0] =	vst v5  }
0x45: {  	[tilespmem:s21+$0xFFFFFFF0] =	vst v4;
	s20 =	sshll.u32 s19, $0xC;
	s22 =	sshll.u32 s19, $0x7  }
0x46: {  	[tilespmem:s21+$0x0] =	vst v3;
	s19 =	sand.u32 $0xFFFF8000, s20;
	s20 =	sand.u32 $0x380, s22  }
0x47: {  	[tilespmem:s21+$0x10] =	vst v1;
	s22 =	sor.u32 s20, s19  }
0x48: {  	[tilespmem:s21+$0x20] =	vst v0;
	s22 =	sshrl.u32 s22, $0x3  }
0x49: {  	s31 =	simm.s32 $0x19770;
	[tilespmem:s21+$0xFFFFFFC0] =	vst v2;
	s30 =	sadd.s32 s4, s22  }
0x4a: {  	[hbm4b:s30+s9] =	stream.strided.scatter [tilespmem:s12], [sflag:$0x1], $0x1000, s10, s9, $0x38;
	[tilespmem:$0x1F700] =	vst v63  }
0x4b: {  	v0 =	vld [tilespmem:s31+$0x0]  }
0x4c: {  	v1 =	vld [tilespmem:s31+$0xFFFFFFA0]  }
0x4d: {  	v2 =	vld [tilespmem:s31+$0xFFFFFFB0]  }
0x4e: {  	v3 =	vld [tilespmem:s31+$0xFFFFFFC0]  }
0x4f: {  	v6 =	vld [tilespmem:s31+$0xFFFFFFD0]  }
0x50: {  	v7 =	vld [tilespmem:s31+$0xFFFFFFE0]  }
0x51: {  	v8 =	vld [tilespmem:s31+$0xFFFFFFF0]  }
0x52: {  	v9 =	vld [tilespmem:s31+$0xFFFFFF90]  }
0x53: {  	v10 =	vld.idx.msk [tilespmem:v0+s5+$0x0], $0xffff  }
0x54: {  	v11 =	vld.idx.msk [tilespmem:v1+s5+$0x0], $0xffff  }
0x55: {  	v5 =	vld.idx.msk [tilespmem:v2+s5+$0x0], $0xffff  }
0x56: {  	v4 =	vld.idx.msk [tilespmem:v3+s5+$0x0], $0xffff  }
0x57: {  	v3 =	vld.idx.msk [tilespmem:v6+s5+$0x0], $0xffff  }
0x58: {  	s21 =	simm.s32 $0x1E740;
	v1 =	vld.idx.msk [tilespmem:v7+s5+$0x0], $0xffff  }
0x59: {  	v0 =	vld.idx.msk [tilespmem:v8+s5+$0x0], $0xffff;
	[tilespmem:s21+$0x30] =	vst v10  }
0x5a: {  	s23 =	simm.s32 $0x197F0;
	s22 =	simm.s32 $0x0;
	v2 =	vld.idx.msk [tilespmem:v9+s5+$0x0], $0xffff;
	[tilespmem:s21+$0xFFFFFFD0] =	vst v11  }
.LBB2_5:
0x5b: {  	v6 =	vld [tilespmem:s23+$0x0];
	s22 =	sadd.s32 $0x8, s22;
	[tilespmem:s21+$0xFFFFFFE0] =	vst v5  }
0x5c: {  	v5 =	vld [tilespmem:s23+$0xFFFFFFA0];
	p0 =	slt.u32 s22, $0xF8;
	[tilespmem:s21+$0xFFFFFFF0] =	vst v4  }
0x5d: {  	v4 =	vld [tilespmem:s23+$0xFFFFFFB0];
	[tilespmem:s21+$0x0] =	vst v3  }
0x5e: {  	v3 =	vld [tilespmem:s23+$0xFFFFFFC0];
	[tilespmem:s21+$0x10] =	vst v1  }
0x5f: {  	v1 =	vld [tilespmem:s23+$0xFFFFFFD0];
	[tilespmem:s21+$0x20] =	vst v0  }
0x60: {  	v0 =	vld [tilespmem:s23+$0xFFFFFFE0];
	[tilespmem:s21+$0xFFFFFFC0] =	vst v2  }
0x61: {  	v2 =	vld [tilespmem:s23+$0xFFFFFFF0]  }
0x62: {  	v7 =	vld [tilespmem:s23+$0xFFFFFF90]  }
0x63: {  	v6 =	vld.idx.msk [tilespmem:v6+s5+$0x0], $0xffff  }
0x64: {  	v8 =	vld.idx.msk [tilespmem:v5+s5+$0x0], $0xffff  }
0x65: {  	v5 =	vld.idx.msk [tilespmem:v4+s5+$0x0], $0xffff  }
.Ltmp1:
0x66: {  	v4 =	vld.idx.msk [tilespmem:v3+s5+$0x0], $0xffff;
	(pc) =	sbr.rel @p0 .LBB2_5-.Ltmp1, $4  }
0x67: {  	v3 =	vld.idx.msk [tilespmem:v1+s5+$0x0], $0xffff  }
0x68: {  	s21 =	sadd.s32 $0x80, s21;
	v1 =	vld.idx.msk [tilespmem:v0+s5+$0x0], $0xffff  }
0x69: {  	v0 =	vld.idx.msk [tilespmem:v2+s5+$0x0], $0xffff;
	[tilespmem:s21+$0x30] =	vst v6  }
0x6a: {  	s23 =	sadd.s32 $0x80, s23;
	v2 =	vld.idx.msk [tilespmem:v7+s5+$0x0], $0xffff;
	[tilespmem:s21+$0xFFFFFFD0] =	vst v8  }
0x6b: {  	[tilespmem:s21+$0xFFFFFFE0] =	vst v5  }
0x6c: {  	[tilespmem:s21+$0xFFFFFFF0] =	vst v4  }
0x6d: {  	s19 =	sadd.s32 s20, s19;
	[tilespmem:s21+$0x0] =	vst v3  }
0x6e: {  	s20 =	sadd.s32 $0x518000, s19;
	[tilespmem:s21+$0x10] =	vst v1  }
0x6f: {  	s20 =	sshrl.u32 s20, $0x3;
	[tilespmem:s21+$0x20] =	vst v0  }
0x70: {  	s20 =	sadd.s32 s4, s20;
	[tilespmem:s21+$0xFFFFFFC0] =	vst v2  }
0x71: {  	[hbm4b:s20+s9] =	stream.strided.scatter [tilespmem:s13], [sflag:$0x2], $0x1000, s10, s9, $0x38;
	[tilespmem:$0x1F700] =	vst v63  }
0x72: {  	_ =	swait.ge [sflag:s14], $0x1000  }
0x73: {  	[sflag:s14] =	ssyncset.done $0x0  }
0x74: {  	s31 =	simm.s32 $0x1A770;
	[sflag:s14] =	ssyncadd.s32 $0xFFFFF000  }
0x75: {  	v0 =	vld [tilespmem:s31+$0x0]  }
0x76: {  	v1 =	vld [tilespmem:s31+$0xFFFFFFA0]  }
0x77: {  	v2 =	vld [tilespmem:s31+$0xFFFFFFB0]  }
0x78: {  	v3 =	vld [tilespmem:s31+$0xFFFFFFC0]  }
0x79: {  	v6 =	vld [tilespmem:s31+$0xFFFFFFD0]  }
0x7a: {  	v7 =	vld [tilespmem:s31+$0xFFFFFFE0]  }
0x7b: {  	v8 =	vld [tilespmem:s31+$0xFFFFFFF0]  }
0x7c: {  	v9 =	vld [tilespmem:s31+$0xFFFFFF90]  }
0x7d: {  	v10 =	vld.idx.msk [tilespmem:v0+s5+$0x0], $0xffff  }
0x7e: {  	v11 =	vld.idx.msk [tilespmem:v1+s5+$0x0], $0xffff  }
0x7f: {  	v5 =	vld.idx.msk [tilespmem:v2+s5+$0x0], $0xffff  }
0x80: {  	v4 =	vld.idx.msk [tilespmem:v3+s5+$0x0], $0xffff  }
0x81: {  	v1 =	vld.idx.msk [tilespmem:v6+s5+$0x0], $0xffff  }
0x82: {  	s20 =	simm.s32 $0x1D740;
	v2 =	vld.idx.msk [tilespmem:v7+s5+$0x0], $0xffff  }
0x83: {  	v0 =	vld.idx.msk [tilespmem:v8+s5+$0x0], $0xffff;
	[tilespmem:s20+$0x30] =	vst v10  }
0x84: {  	s22 =	simm.s32 $0x1A7F0;
	s21 =	simm.s32 $0x0;
	v3 =	vld.idx.msk [tilespmem:v9+s5+$0x0], $0xffff;
	[tilespmem:s20+$0xFFFFFFD0] =	vst v11  }
.LBB2_7:
0x85: {  	v6 =	vld [tilespmem:s22+$0x0];
	s21 =	sadd.s32 $0x8, s21;
	[tilespmem:s20+$0xFFFFFFE0] =	vst v5  }
0x86: {  	v5 =	vld [tilespmem:s22+$0xFFFFFFA0];
	p0 =	slt.u32 s21, $0xF8;
	[tilespmem:s20+$0xFFFFFFF0] =	vst v4  }
0x87: {  	v4 =	vld [tilespmem:s22+$0xFFFFFFB0];
	[tilespmem:s20+$0x0] =	vst v1  }
0x88: {  	v1 =	vld [tilespmem:s22+$0xFFFFFFC0];
	[tilespmem:s20+$0x10] =	vst v2  }
0x89: {  	v2 =	vld [tilespmem:s22+$0xFFFFFFD0];
	[tilespmem:s20+$0x20] =	vst v0  }
0x8a: {  	v0 =	vld [tilespmem:s22+$0xFFFFFFE0];
	[tilespmem:s20+$0xFFFFFFC0] =	vst v3  }
0x8b: {  	v3 =	vld [tilespmem:s22+$0xFFFFFFF0]  }
0x8c: {  	v7 =	vld [tilespmem:s22+$0xFFFFFF90]  }
0x8d: {  	v6 =	vld.idx.msk [tilespmem:v6+s5+$0x0], $0xffff  }
0x8e: {  	v8 =	vld.idx.msk [tilespmem:v5+s5+$0x0], $0xffff  }
0x8f: {  	v5 =	vld.idx.msk [tilespmem:v4+s5+$0x0], $0xffff  }
.Ltmp2:
0x90: {  	v4 =	vld.idx.msk [tilespmem:v1+s5+$0x0], $0xffff;
	(pc) =	sbr.rel @p0 .LBB2_7-.Ltmp2, $4  }
0x91: {  	v1 =	vld.idx.msk [tilespmem:v2+s5+$0x0], $0xffff  }
0x92: {  	s20 =	sadd.s32 $0x80, s20;
	v2 =	vld.idx.msk [tilespmem:v0+s5+$0x0], $0xffff  }
0x93: {  	v0 =	vld.idx.msk [tilespmem:v3+s5+$0x0], $0xffff;
	[tilespmem:s20+$0x30] =	vst v6  }
0x94: {  	s22 =	sadd.s32 $0x80, s22;
	v3 =	vld.idx.msk [tilespmem:v7+s5+$0x0], $0xffff;
	[tilespmem:s20+$0xFFFFFFD0] =	vst v8  }
0x95: {  	[tilespmem:s20+$0xFFFFFFE0] =	vst v5  }
0x96: {  	[tilespmem:s20+$0xFFFFFFF0] =	vst v4  }
0x97: {  	[tilespmem:s20+$0x0] =	vst v1  }
0x98: {  	s21 =	sadd.s32 $0xA30000, s19;
	[tilespmem:s20+$0x10] =	vst v2  }
0x99: {  	s21 =	sshrl.u32 s21, $0x3;
	[tilespmem:s20+$0x20] =	vst v0  }
0x9a: {  	s30 =	sadd.s32 s4, s21;
	[tilespmem:s20+$0xFFFFFFC0] =	vst v3  }
0x9b: {  	[hbm4b:s30+s9] =	stream.strided.scatter [tilespmem:s12], [sflag:$0x1], $0x1000, s10, s9, $0x38;
	[tilespmem:$0x1F700] =	vst v63  }
0x9c: {  	_ =	swait.ge [sflag:s15], $0x1000  }
0x9d: {  	[sflag:s15] =	ssyncset.done $0x0  }
0x9e: {  	s31 =	simm.s32 $0x1B770;
	[sflag:s15] =	ssyncadd.s32 $0xFFFFF000  }
0x9f: {  	v0 =	vld [tilespmem:s31+$0x0]  }
0xa0: {  	v1 =	vld [tilespmem:s31+$0xFFFFFFA0]  }
0xa1: {  	v2 =	vld [tilespmem:s31+$0xFFFFFFB0]  }
0xa2: {  	v3 =	vld [tilespmem:s31+$0xFFFFFFC0]  }
0xa3: {  	v6 =	vld [tilespmem:s31+$0xFFFFFFD0]  }
0xa4: {  	v7 =	vld [tilespmem:s31+$0xFFFFFFE0]  }
0xa5: {  	v8 =	vld [tilespmem:s31+$0xFFFFFFF0]  }
0xa6: {  	v9 =	vld [tilespmem:s31+$0xFFFFFF90]  }
0xa7: {  	v10 =	vld.idx.msk [tilespmem:v0+s5+$0x0], $0xffff  }
0xa8: {  	v11 =	vld.idx.msk [tilespmem:v1+s5+$0x0], $0xffff  }
0xa9: {  	v5 =	vld.idx.msk [tilespmem:v2+s5+$0x0], $0xffff  }
0xaa: {  	v4 =	vld.idx.msk [tilespmem:v3+s5+$0x0], $0xffff  }
0xab: {  	v1 =	vld.idx.msk [tilespmem:v6+s5+$0x0], $0xffff  }
0xac: {  	s20 =	simm.s32 $0x1E740;
	v2 =	vld.idx.msk [tilespmem:v7+s5+$0x0], $0xffff  }
0xad: {  	v0 =	vld.idx.msk [tilespmem:v8+s5+$0x0], $0xffff;
	[tilespmem:s20+$0x30] =	vst v10  }
0xae: {  	s22 =	simm.s32 $0x1B7F0;
	s21 =	simm.s32 $0x0;
	v3 =	vld.idx.msk [tilespmem:v9+s5+$0x0], $0xffff;
	[tilespmem:s20+$0xFFFFFFD0] =	vst v11  }
.LBB2_9:
0xaf: {  	v6 =	vld [tilespmem:s22+$0x0];
	s21 =	sadd.s32 $0x8, s21;
	[tilespmem:s20+$0xFFFFFFE0] =	vst v5  }
0xb0: {  	v5 =	vld [tilespmem:s22+$0xFFFFFFA0];
	p0 =	slt.u32 s21, $0xF8;
	[tilespmem:s20+$0xFFFFFFF0] =	vst v4  }
0xb1: {  	v4 =	vld [tilespmem:s22+$0xFFFFFFB0];
	[tilespmem:s20+$0x0] =	vst v1  }
0xb2: {  	v1 =	vld [tilespmem:s22+$0xFFFFFFC0];
	[tilespmem:s20+$0x10] =	vst v2  }
0xb3: {  	v2 =	vld [tilespmem:s22+$0xFFFFFFD0];
	[tilespmem:s20+$0x20] =	vst v0  }
0xb4: {  	v0 =	vld [tilespmem:s22+$0xFFFFFFE0];
	[tilespmem:s20+$0xFFFFFFC0] =	vst v3  }
0xb5: {  	v3 =	vld [tilespmem:s22+$0xFFFFFFF0]  }
0xb6: {  	v7 =	vld [tilespmem:s22+$0xFFFFFF90]  }
0xb7: {  	v6 =	vld.idx.msk [tilespmem:v6+s5+$0x0], $0xffff  }
0xb8: {  	v8 =	vld.idx.msk [tilespmem:v5+s5+$0x0], $0xffff  }
0xb9: {  	v5 =	vld.idx.msk [tilespmem:v4+s5+$0x0], $0xffff  }
.Ltmp3:
0xba: {  	v4 =	vld.idx.msk [tilespmem:v1+s5+$0x0], $0xffff;
	(pc) =	sbr.rel @p0 .LBB2_9-.Ltmp3, $4  }
0xbb: {  	v1 =	vld.idx.msk [tilespmem:v2+s5+$0x0], $0xffff  }
0xbc: {  	s20 =	sadd.s32 $0x80, s20;
	v2 =	vld.idx.msk [tilespmem:v0+s5+$0x0], $0xffff  }
0xbd: {  	v0 =	vld.idx.msk [tilespmem:v3+s5+$0x0], $0xffff;
	[tilespmem:s20+$0x30] =	vst v6  }
0xbe: {  	s22 =	sadd.s32 $0x80, s22;
	v3 =	vld.idx.msk [tilespmem:v7+s5+$0x0], $0xffff;
	[tilespmem:s20+$0xFFFFFFD0] =	vst v8  }
0xbf: {  	[tilespmem:s20+$0xFFFFFFE0] =	vst v5  }
0xc0: {  	[tilespmem:s20+$0xFFFFFFF0] =	vst v4  }
0xc1: {  	[tilespmem:s20+$0x0] =	vst v1  }
0xc2: {  	s21 =	sadd.s32 $0xF48000, s19;
	[tilespmem:s20+$0x10] =	vst v2  }
0xc3: {  	s21 =	sshrl.u32 s21, $0x3;
	[tilespmem:s20+$0x20] =	vst v0  }
0xc4: {  	s31 =	sadd.s32 s4, s21;
	[tilespmem:s20+$0xFFFFFFC0] =	vst v3  }
0xc5: {  	[hbm4b:s31+s9] =	stream.strided.scatter [tilespmem:s13], [sflag:$0x2], $0x1000, s10, s9, $0x38;
	[tilespmem:$0x1F700] =	vst v63  }
0xc6: {  	_ =	swait.ge [sflag:s14], $0x1000  }
0xc7: {  	[sflag:s14] =	ssyncset.done $0x0  }
0xc8: {  	s20 =	simm.s32 $0x0;
	[sflag:s14] =	ssyncadd.s32 $0xFFFFF000  }
0xc9: {  	v1 =	vld [tilespmem:s20+$0x1C770]  }
0xca: {  	v2 =	vld [tilespmem:s20+$0x1C700]  }
0xcb: {  	v3 =	vld [tilespmem:s20+$0x1C710]  }
0xcc: {  	v4 =	vld [tilespmem:s20+$0x1C720]  }
0xcd: {  	v7 =	vld [tilespmem:s20+$0x1C730]  }
0xce: {  	v8 =	vld [tilespmem:s20+$0x1C740]  }
0xcf: {  	v9 =	vld [tilespmem:s20+$0x1C750]  }
0xd0: {  	v0 =	vld [tilespmem:s20+$0x1C760]  }
0xd1: {  	v10 =	vld.idx.msk [tilespmem:v1+s5+$0x0], $0xffff  }
0xd2: {  	v6 =	vld.idx.msk [tilespmem:v2+s5+$0x0], $0xffff  }
0xd3: {  	v5 =	vld.idx.msk [tilespmem:v3+s5+$0x0], $0xffff  }
0xd4: {  	v4 =	vld.idx.msk [tilespmem:v4+s5+$0x0], $0xffff  }
0xd5: {  	v3 =	vld.idx.msk [tilespmem:v7+s5+$0x0], $0xffff  }
0xd6: {  	v2 =	vld.idx.msk [tilespmem:v8+s5+$0x0], $0xffff  }
0xd7: {  	s22 =	simm.s32 $0x200;
	s21 =	simm.s32 $0x0;
	v1 =	vld.idx.msk [tilespmem:v9+s5+$0x0], $0xffff;
	[tilespmem:s20+$0x1D770] =	vst v10  }
.LBB2_11:
0xd8: {  	s23 =	sshra.s32 s22, $0x2;
	s21 =	sadd.s32 $0x8, s21;
	[tilespmem:s20+$0x1D700] =	vst v6;
	v0 =	vld.idx.msk [tilespmem:v0+s5+$0x0], $0xffff  }
0xd9: {  	v6 =	vld [tilespmem:s23+$0x1C770];
	p0 =	slt.u32 s21, $0xF8;
	[tilespmem:s20+$0x1D710] =	vst v5  }
0xda: {  	v5 =	vld [tilespmem:s23+$0x1C700];
	[tilespmem:s20+$0x1D720] =	vst v4  }
0xdb: {  	v4 =	vld [tilespmem:s23+$0x1C710];
	[tilespmem:s20+$0x1D730] =	vst v3  }
0xdc: {  	v3 =	vld [tilespmem:s23+$0x1C720];
	[tilespmem:s20+$0x1D740] =	vst v2  }
0xdd: {  	v2 =	vld [tilespmem:s23+$0x1C730];
	[tilespmem:s20+$0x1D750] =	vst v1  }
0xde: {  	v1 =	vld [tilespmem:s23+$0x1C740];
	[tilespmem:s20+$0x1D760] =	vst v0;
	s20 =	smov.u32 s23  }
0xdf: {  	v7 =	vld [tilespmem:s20+$0x1C750]  }
0xe0: {  	v0 =	vld [tilespmem:s20+$0x1C760]  }
0xe1: {  	v8 =	vld.idx.msk [tilespmem:v6+s5+$0x0], $0xffff  }
0xe2: {  	v6 =	vld.idx.msk [tilespmem:v5+s5+$0x0], $0xffff  }
.Ltmp4:
0xe3: {  	v5 =	vld.idx.msk [tilespmem:v4+s5+$0x0], $0xffff;
	(pc) =	sbr.rel @p0 .LBB2_11-.Ltmp4, $4  }
0xe4: {  	v4 =	vld.idx.msk [tilespmem:v3+s5+$0x0], $0xffff  }
0xe5: {  	v3 =	vld.idx.msk [tilespmem:v2+s5+$0x0], $0xffff  }
0xe6: {  	v2 =	vld.idx.msk [tilespmem:v1+s5+$0x0], $0xffff  }
0xe7: {  	s22 =	sadd.s32 $0x200, s22;
	v1 =	vld.idx.msk [tilespmem:v7+s5+$0x0], $0xffff;
	[tilespmem:s20+$0x1D770] =	vst v8  }
0xe8: {  	_ =	sdelay $0x2  }
0xe9: {  	[tilespmem:s20+$0x1D700] =	vst v6  }
0xea: {  	v0 =	vld.idx.msk [tilespmem:v0+s5+$0x0], $0xffff;
	[tilespmem:s20+$0x1D710] =	vst v5  }
0xeb: {  	[tilespmem:s20+$0x1D720] =	vst v4  }
0xec: {  	[tilespmem:s20+$0x1D730] =	vst v3  }
0xed: {  	s19 =	sadd.s32 $0x1460000, s19;
	[tilespmem:s20+$0x1D740] =	vst v2  }
0xee: {  	s19 =	sshrl.u32 s19, $0x3;
	[tilespmem:s20+$0x1D750] =	vst v1  }
0xef: {  	s18 =	sadd.s32 $0x1, s18;
	s19 =	sadd.s32 s4, s19;
	[tilespmem:s20+$0x1D760] =	vst v0  }
0xf0: {  	[hbm4b:s19+s9] =	stream.strided.scatter [tilespmem:s12], [sflag:$0x1], $0x1000, s10, s9, $0x38;
	[tilespmem:$0x1F700] =	vst v63  }
0xf1: {  	p0 =	sne.s32 s18, s6;
	_ =	swait.ge [sflag:s15], $0x1000  }
.Ltmp5:
0xf2: {  	[sflag:s15] =	ssyncset.done $0x0;
	(pc) =	sbr.rel @p0 .LBB2_2-.Ltmp5, $4  }
0xf3: {  	[sflag:s15] =	ssyncadd.s32 $0xFFFFF000  }
0xf4: {  	_ =	swait.ge [sflag:s14], $0x1000  }
0xf5: {  	[sflag:s14] =	ssyncset.done $0x0  }
0xf6: {  	[sflag:s14] =	ssyncadd.s32 $0xFFFFF000  }
0xf7: {  	s16 =	sadd.s32 $0x1, s16  }
0xf8: {  	p0 =	sne.s32 s16, s8  }
.Ltmp6:
0xf9: {  	_ = 	snop;
	(pc) =	sbr.rel @p0 .LBB2_1-.Ltmp6, $1  }
0xfa: {  	_ =	sdelay $0x3  }
0xfb: {  	_ =	sfence.sel $0x180000  }
0xfc: {  	[bflag:$0x0] =	sbarrier.arrive $0xFFFF  }
0xfd: {  	p0 =	sne.s32 s2, $0x0;
	_ =	strace $0x90000047  }
0xfe: {  	s0 =	sadd.s32 @!p0 $0x100000, s0;
	[bflag:$0x2] =	sbarrier.arrive $0xFFFF  }
0xff: {  	[sflag:s0] =	ssyncadd.tile.s32 @!p0 $0x1;
	_ =	shalt  }
.Lfunc_end2:
_tile_overlayer_lowered:
.L_overlay_start_2:
0x100: {  	(tag) =	ssettag $0x2  }
0x101: {  	s0 =	rddreg [dreg:$0x0];
	s2 =	stileid.u32  }
0x102: {  	s1 =	rddreg [dreg:$0x1];
	p0 =	sne.s32 s2, $0x0  }
0x103: {  	s3 =	rddreg [dreg:$0x2];
	[bflag:$0x3] =	sbarrier.arrive $0xFFFF;
	s2 =	simm.s32 @!p0 $0x1C03  }
0x104: {  	[timem:s3], [sflag:s2] =	dma.local @!p0 [hbm:s0], s1  }
0x105: {  	s0 =	simm.s32 @!p0 $0x3  }
0x106: {  	_ =	swait.ge @!p0 [sflag:s0], s1  }
0x107: {  	s1 =	ssub.s32 @!p0 $0x0, s1;
	[sflag:s0] =	ssyncset.done @!p0 $0x0  }
0x108: {  	[sflag:s0] =	ssyncadd.s32 @!p0 s1  }
0x109: {  	[bflag:$0x3] =	sbarrier.arrive $0xFFFF  }
0x10a: {  	_ =	shalt  }

</sc_bundles>
